<compile_context>
chip_gen: v7x
topology: tpu7x:2x2x1
jax: 0.10.2.dev20260603
libtpu: 0.0.44.dev20260713+nightly
codegen_flags: <defaults>
</compile_context>

<pallas_src>
import functools

import jax
import jax.numpy as jnp
from jax import lax
from jax.experimental import pallas as pl
from jax.experimental.pallas import tpu as pltpu
from jax.experimental.pallas import tpu_sc as plsc

B, C, D, H, W = 2, 2, 128, 128, 128
BD = BH = BW = 16
HALO = 8
R = BD + 2 * HALO
NB = D // BD
NTASK = B * NB * NB * NB
NWORKERS = 32
STEPS = BD * BH

_mesh = plsc.VectorSubcoreMesh(core_axis_name="c", subcore_axis_name="s")


@functools.partial(
    pl.kernel,
    mesh=_mesh,
    compiler_params=pltpu.CompilerParams(
        use_tc_tiling_on_sc=False, needs_layout_passes=False
    ),
    out_type=jax.ShapeDtypeStruct((B, C, D, H, W), jnp.float32),
    scratch_types=[
        pltpu.VMEM((C, R, R, R), jnp.float32),
        pltpu.VMEM((3, BD, BH, BW), jnp.float32),
        pltpu.VMEM((C, BD, BH, BW), jnp.float32),
    ],
)
def _warp_sc(vol_hbm, df_hbm, out_hbm, vol_v, df_v, out_v):
    wid = lax.axis_index("s") * 2 + lax.axis_index("c")
    lanes = lax.iota(jnp.int32, 16)
    lanes_f = lanes.astype(jnp.float32)

    def task_body(t, carry):
        tid = t * NWORKERS + wid
        b = tid // (NB * NB * NB)
        r3 = tid % (NB * NB * NB)
        bd = r3 // (NB * NB)
        bh = (r3 // NB) % NB
        bw = r3 % NB
        s_d = pl.multiple_of(bd * BD, BD)
        s_h = pl.multiple_of(bh * BH, BH)
        s_w = pl.multiple_of(bw * BW, BW)
        lo_d = pl.multiple_of(jnp.clip(s_d - HALO, 0, D - R), HALO)
        lo_h = pl.multiple_of(jnp.clip(s_h - HALO, 0, H - R), HALO)
        lo_w = pl.multiple_of(jnp.clip(s_w - HALO, 0, W - R), HALO)

        for c in range(C):
            pltpu.sync_copy(
                vol_hbm.at[b, c, pl.ds(lo_d, R), pl.ds(lo_h, R), pl.ds(lo_w, R)],
                vol_v.at[c],
            )
        for k in range(3):
            pltpu.sync_copy(
                df_hbm.at[b, k, pl.ds(s_d, BD), pl.ds(s_h, BH), pl.ds(s_w, BW)],
                df_v.at[k],
            )

        s_w_f = (s_w - lo_w).astype(jnp.float32)

        def step(i, carry2):
            d_l = i // BH
            h_l = i % BH

            dfd = df_v[0, d_l, h_l, :]
            dfh = df_v[1, d_l, h_l, :]
            dfw = df_v[2, d_l, h_l, :]
            d_glob = (s_d + d_l).astype(jnp.float32)
            h_glob = (s_h + h_l).astype(jnp.float32)
            loc_d = jnp.clip(d_glob + dfd, 0.0, float(D - 1)) - lo_d.astype(jnp.float32)
            loc_h = jnp.clip(h_glob + dfh, 0.0, float(H - 1)) - lo_h.astype(jnp.float32)
            loc_w = jnp.clip(s_w_f + lanes_f + dfw, 0.0, None)
            loc_w = jnp.minimum(loc_w, float(W - 1) - lo_w.astype(jnp.float32))

            d0 = loc_d.astype(jnp.int32)
            h0 = loc_h.astype(jnp.int32)
            w0 = loc_w.astype(jnp.int32)
            hi_d = (D - 1 - lo_d)
            hi_h = (H - 1 - lo_h)
            hi_w = (W - 1 - lo_w)
            d1 = jnp.minimum(d0 + 1, hi_d)
            h1 = jnp.minimum(h0 + 1, hi_h)
            w1 = jnp.minimum(w0 + 1, hi_w)

            wd0 = jnp.clip(d1.astype(jnp.float32) - loc_d, 0.0, 1.0)
            wh0 = jnp.clip(h1.astype(jnp.float32) - loc_h, 0.0, 1.0)
            ww0 = jnp.clip(w1.astype(jnp.float32) - loc_w, 0.0, 1.0)
            wd1 = 1.0 - wd0
            wh1 = 1.0 - wh0
            ww1 = 1.0 - ww0

            c00 = wd0 * wh0
            c01 = wd0 * wh1
            c10 = wd1 * wh0
            c11 = wd1 * wh1

            for c in range(C):
                cv = jnp.full((16,), c, dtype=jnp.int32)
                g000 = plsc.load_gather(vol_v, [cv, d0, h0, w0])
                g001 = plsc.load_gather(vol_v, [cv, d0, h0, w1])
                g010 = plsc.load_gather(vol_v, [cv, d0, h1, w0])
                g011 = plsc.load_gather(vol_v, [cv, d0, h1, w1])
                g100 = plsc.load_gather(vol_v, [cv, d1, h0, w0])
                g101 = plsc.load_gather(vol_v, [cv, d1, h0, w1])
                g110 = plsc.load_gather(vol_v, [cv, d1, h1, w0])
                g111 = plsc.load_gather(vol_v, [cv, d1, h1, w1])
                acc = (c00 * (g000 * ww0 + g001 * ww1)
                       + c01 * (g010 * ww0 + g011 * ww1)
                       + c10 * (g100 * ww0 + g101 * ww1)
                       + c11 * (g110 * ww0 + g111 * ww1))
                out_v[c, d_l, h_l, :] = acc
            return carry2

        lax.fori_loop(0, STEPS, step, 0)

        pltpu.sync_copy(
            out_v,
            out_hbm.at[b, :, pl.ds(s_d, BD), pl.ds(s_h, BH), pl.ds(s_w, BW)],
        )
        return carry

    lax.fori_loop(0, NTASK // NWORKERS, task_body, 0)


def kernel(vol, df):
    return _warp_sc(vol, df)

# --- scband reference (transcript-rebuilt; emitter-appended) ---
"""Pipeline reference for scband-spatial-transformer-17841294148088 (READ-ONLY COPY).

The authoritative reference and input builder live on the scoring server;
editing this copy changes nothing except your own understanding.
"""

import jax, jax.numpy as jnp
import numpy as np
import itertools
from functools import reduce
from operator import mul


def setup_inputs(seed: int = 0) -> dict:
    key = jax.random.key(seed)
    k1, k2 = jax.random.split(key)
    vol = jax.random.normal(k1, (2, 2, 128, 128, 128), dtype=jnp.float32)
    df = jax.random.normal(k2, (2, 3, 128, 128, 128), dtype=jnp.float32)
    return {"vol": vol, "df": df}


def _warp(vol, df):
    # Faithful jax translation of SpatialTransformer.forward with
    # interp_method='linear', linear_norm=False, inputs=(vol, df).
    df_shape = df.shape[2:]
    B, C = vol.shape[0], vol.shape[1]
    nb_dims = len(df_shape)
    final_shape = vol.shape[:2] + df_shape
    max_loc = [s - 1 for s in vol.shape[2:]]
    # mesh grid (torch.meshgrid default 'ij' indexing)
    mesh = jnp.meshgrid(*[jnp.arange(s, dtype=jnp.float32) for s in df_shape], indexing='ij')
    loc = [mesh[d][None, ...] + df[:, d, ...] for d in range(nb_dims)]
    loc = [jnp.clip(l, 0.0, float(m)) for l, m in zip(loc, max_loc)]
    # strides for flat indexing: d_size = cumprod reversed -> (H*W, W, 1)
    d_size = np.cumprod((1,) + vol.shape[-1:2:-1])[::-1]
    loc0 = [jnp.floor(l) for l in loc]
    loc0lst = [jnp.clip(l, 0.0, float(m)) for l, m in zip(loc0, max_loc)]
    loc1 = [jnp.clip(l + 1.0, 0.0, float(m)) for l, m in zip(loc0, max_loc)]
    locs = [[l.astype(jnp.int32) for l in loc0lst],
            [l.astype(jnp.int32) for l in loc1]]
    diff_loc1 = [jnp.clip(l1 - l, 0.0, 1.0) for l1, l in zip(loc1, loc)]
    diff_loc0 = [1.0 - d for d in diff_loc1]
    weights_loc = [diff_loc1, diff_loc0]
    nvox = int(np.prod(df_shape))
    vol_flat = vol.reshape(B, C, nvox)
    acc = jnp.zeros(final_shape, dtype=vol.dtype)
    for point in itertools.product([0, 1], repeat=nb_dims):
        subs = [locs[cd][i] for i, cd in enumerate(point)]
        idx = subs[0] * int(d_size[0])
        for s, l in zip(d_size[1:], subs[1:]):
            idx = idx + l * int(s)
        idx_b = jnp.broadcast_to(idx.reshape(B, 1, nvox), (B, C, nvox))
        vol_val = jnp.take_along_axis(vol_flat, idx_b, axis=2).reshape(final_shape)
        wt = reduce(mul, [weights_loc[cd][i] for i, cd in enumerate(point)])
        acc = acc + wt[:, None, ...] * vol_val
    return acc


def reference(vol, df):
    return _warp(vol, df)

if __name__ == "__main__":
    import jax
    _d = setup_inputs()
    print(jax.jit(kernel)(*tuple(_d.values())))

</pallas_src>

<mosaic_0001>
#map = affine_map<(d0, d1) -> (0, 0, 0, 0, 0)>
module attributes {stable_mosaic.version = 14 : i64} {
  func.func @_warp_sc(%arg0: i32, %arg1: i32, %arg2: memref<2x2x128x128x128xf32, #tpu.memory_space<hbm>>, %arg3: memref<2x3x128x128x128xf32, #tpu.memory_space<hbm>>, %arg4: memref<2x2x128x128x128xf32, #tpu.memory_space<hbm>>, %arg5: memref<2x32x32x32xf32, #tpu.memory_space<vmem>>, %arg6: memref<3x16x16x16xf32, #tpu.memory_space<vmem>>, %arg7: memref<2x16x16x16xf32, #tpu.memory_space<vmem>>) attributes {dimension_semantics = [#tpu.dimension_semantics<core_parallel>, #tpu.dimension_semantics<subcore_parallel>], iteration_bounds = array<i64: 2, 16>, scalar_prefetch = 0 : i64, scratch_operands = 3 : i64, tpu.core_type = #tpu.core_type<sc_vector_subcore>, window_params = [{transform_indices = #map}, {transform_indices = #map}, {transform_indices = #map}]} {
    %mul3A = arith.constant 2 : i32
    %mul3A_0 = arith.muli %arg1, %mul3A : i32
    %add3A = arith.addi %mul3A_0, %arg0 : i32
    %iota3A = tpu.iota {dimensions = array<i32: 0>} : vector<16xi32>
    %convert_element_type3A = arith.sitofp %iota3A : vector<16xi32> to vector<16xf32>
    %scan3A = arith.constant 0 : i32
    %scan3A_1 = arith.constant 0 : i32
    %scan3A_2 = arith.constant 32 : i32
    %scan3A_3 = arith.addi %scan3A_1, %scan3A_2 : i32
    %scan3A_4 = arith.constant 1 : i32
    scf.for %scan3A_6 = %scan3A_1 to %scan3A_3 step %scan3A_4  : i32 {
      %mul3A_7 = arith.constant 32 : i32
      %mul3A_8 = arith.muli %scan3A_6, %mul3A_7 : i32
      %add3A_9 = arith.addi %mul3A_8, %add3A : i32
      %jit3A = arith.constant 512 : i32
      %div3A = arith.divsi %add3A_9, %jit3A : i32
      %sign3A = arith.constant 0 : i32
      %sign3A_10 = arith.cmpi sgt, %add3A_9, %sign3A : i32
      %sign3A_11 = arith.extui %sign3A_10 : i1 to i32
      %sign3A_12 = arith.constant 0 : i32
      %sign3A_13 = arith.cmpi slt, %add3A_9, %sign3A_12 : i32
      %sign3A_14 = arith.extui %sign3A_13 : i1 to i32
      %sign3A_15 = arith.subi %sign3A_11, %sign3A_14 : i32
      %sign3A_16 = arith.constant 0 : i32
      %sign3A_17 = arith.cmpi sgt, %jit3A, %sign3A_16 : i32
      %sign3A_18 = arith.extui %sign3A_17 : i1 to i32
      %sign3A_19 = arith.constant 0 : i32
      %sign3A_20 = arith.cmpi slt, %jit3A, %sign3A_19 : i32
      %sign3A_21 = arith.extui %sign3A_20 : i1 to i32
      %sign3A_22 = arith.subi %sign3A_18, %sign3A_21 : i32
      %ne3A = arith.cmpi ne, %sign3A_15, %sign3A_22 : i32
      %rem3A = arith.remsi %add3A_9, %jit3A : i32
      %ne3A_23 = arith.constant 0 : i32
      %ne3A_24 = arith.cmpi ne, %rem3A, %ne3A_23 : i32
      %and3A = arith.andi %ne3A, %ne3A_24 : i1
      %sub3A = arith.constant 1 : i32
      %sub3A_25 = arith.subi %div3A, %sub3A : i32
      %select_n3A = arith.select %and3A, %sub3A_25, %div3A : i32
      %jit3A_26 = arith.constant 512 : i32
      %eq3A = arith.constant 0 : i32
      %eq3A_27 = arith.cmpi eq, %jit3A_26, %eq3A : i32
      %jit3A_28 = arith.constant 1 : i32
      %select_n3A_29 = arith.select %eq3A_27, %jit3A_28, %jit3A_26 : i32
      %rem3A_30 = arith.remsi %add3A_9, %select_n3A_29 : i32
      %ne3A_31 = arith.constant 0 : i32
      %ne3A_32 = arith.cmpi ne, %rem3A_30, %ne3A_31 : i32
      %lt3A = arith.constant 0 : i32
      %lt3A_33 = arith.cmpi slt, %rem3A_30, %lt3A : i32
      %lt3A_34 = arith.constant 0 : i32
      %lt3A_35 = arith.cmpi slt, %select_n3A_29, %lt3A_34 : i32
      %ne3A_36 = arith.xori %lt3A_33, %lt3A_35 : i1
      %and3A_37 = arith.andi %ne3A_36, %ne3A_32 : i1
      %add3A_38 = arith.addi %rem3A_30, %select_n3A_29 : i32
      %select_n3A_39 = arith.select %and3A_37, %add3A_38, %rem3A_30 : i32
      %jit3A_40 = arith.constant 64 : i32
      %div3A_41 = arith.divsi %select_n3A_39, %jit3A_40 : i32
      %sign3A_42 = arith.constant 0 : i32
      %sign3A_43 = arith.cmpi sgt, %select_n3A_39, %sign3A_42 : i32
      %sign3A_44 = arith.extui %sign3A_43 : i1 to i32
      %sign3A_45 = arith.constant 0 : i32
      %sign3A_46 = arith.cmpi slt, %select_n3A_39, %sign3A_45 : i32
      %sign3A_47 = arith.extui %sign3A_46 : i1 to i32
      %sign3A_48 = arith.subi %sign3A_44, %sign3A_47 : i32
      %sign3A_49 = arith.constant 0 : i32
      %sign3A_50 = arith.cmpi sgt, %jit3A_40, %sign3A_49 : i32
      %sign3A_51 = arith.extui %sign3A_50 : i1 to i32
      %sign3A_52 = arith.constant 0 : i32
      %sign3A_53 = arith.cmpi slt, %jit3A_40, %sign3A_52 : i32
      %sign3A_54 = arith.extui %sign3A_53 : i1 to i32
      %sign3A_55 = arith.subi %sign3A_51, %sign3A_54 : i32
      %ne3A_56 = arith.cmpi ne, %sign3A_48, %sign3A_55 : i32
      %rem3A_57 = arith.remsi %select_n3A_39, %jit3A_40 : i32
      %ne3A_58 = arith.constant 0 : i32
      %ne3A_59 = arith.cmpi ne, %rem3A_57, %ne3A_58 : i32
      %and3A_60 = arith.andi %ne3A_56, %ne3A_59 : i1
      %sub3A_61 = arith.constant 1 : i32
      %sub3A_62 = arith.subi %div3A_41, %sub3A_61 : i32
      %select_n3A_63 = arith.select %and3A_60, %sub3A_62, %div3A_41 : i32
      %jit3A_64 = arith.constant 8 : i32
      %div3A_65 = arith.divsi %select_n3A_39, %jit3A_64 : i32
      %sign3A_66 = arith.constant 0 : i32
      %sign3A_67 = arith.cmpi sgt, %select_n3A_39, %sign3A_66 : i32
      %sign3A_68 = arith.extui %sign3A_67 : i1 to i32
      %sign3A_69 = arith.constant 0 : i32
      %sign3A_70 = arith.cmpi slt, %select_n3A_39, %sign3A_69 : i32
      %sign3A_71 = arith.extui %sign3A_70 : i1 to i32
      %sign3A_72 = arith.subi %sign3A_68, %sign3A_71 : i32
      %sign3A_73 = arith.constant 0 : i32
      %sign3A_74 = arith.cmpi sgt, %jit3A_64, %sign3A_73 : i32
      %sign3A_75 = arith.extui %sign3A_74 : i1 to i32
      %sign3A_76 = arith.constant 0 : i32
      %sign3A_77 = arith.cmpi slt, %jit3A_64, %sign3A_76 : i32
      %sign3A_78 = arith.extui %sign3A_77 : i1 to i32
      %sign3A_79 = arith.subi %sign3A_75, %sign3A_78 : i32
      %ne3A_80 = arith.cmpi ne, %sign3A_72, %sign3A_79 : i32
      %rem3A_81 = arith.remsi %select_n3A_39, %jit3A_64 : i32
      %ne3A_82 = arith.constant 0 : i32
      %ne3A_83 = arith.cmpi ne, %rem3A_81, %ne3A_82 : i32
      %and3A_84 = arith.andi %ne3A_80, %ne3A_83 : i1
      %sub3A_85 = arith.constant 1 : i32
      %sub3A_86 = arith.subi %div3A_65, %sub3A_85 : i32
      %select_n3A_87 = arith.select %and3A_84, %sub3A_86, %div3A_65 : i32
      %jit3A_88 = arith.constant 8 : i32
      %eq3A_89 = arith.constant 0 : i32
      %eq3A_90 = arith.cmpi eq, %jit3A_88, %eq3A_89 : i32
      %jit3A_91 = arith.constant 1 : i32
      %select_n3A_92 = arith.select %eq3A_90, %jit3A_91, %jit3A_88 : i32
      %rem3A_93 = arith.remsi %select_n3A_87, %select_n3A_92 : i32
      %ne3A_94 = arith.constant 0 : i32
      %ne3A_95 = arith.cmpi ne, %rem3A_93, %ne3A_94 : i32
      %lt3A_96 = arith.constant 0 : i32
      %lt3A_97 = arith.cmpi slt, %rem3A_93, %lt3A_96 : i32
      %lt3A_98 = arith.constant 0 : i32
      %lt3A_99 = arith.cmpi slt, %select_n3A_92, %lt3A_98 : i32
      %ne3A_100 = arith.xori %lt3A_97, %lt3A_99 : i1
      %and3A_101 = arith.andi %ne3A_100, %ne3A_95 : i1
      %add3A_102 = arith.addi %rem3A_93, %select_n3A_92 : i32
      %select_n3A_103 = arith.select %and3A_101, %add3A_102, %rem3A_93 : i32
      %jit3A_104 = arith.constant 8 : i32
      %eq3A_105 = arith.constant 0 : i32
      %eq3A_106 = arith.cmpi eq, %jit3A_104, %eq3A_105 : i32
      %jit3A_107 = arith.constant 1 : i32
      %select_n3A_108 = arith.select %eq3A_106, %jit3A_107, %jit3A_104 : i32
      %rem3A_109 = arith.remsi %select_n3A_39, %select_n3A_108 : i32
      %ne3A_110 = arith.constant 0 : i32
      %ne3A_111 = arith.cmpi ne, %rem3A_109, %ne3A_110 : i32
      %lt3A_112 = arith.constant 0 : i32
      %lt3A_113 = arith.cmpi slt, %rem3A_109, %lt3A_112 : i32
      %lt3A_114 = arith.constant 0 : i32
      %lt3A_115 = arith.cmpi slt, %select_n3A_108, %lt3A_114 : i32
      %ne3A_116 = arith.xori %lt3A_113, %lt3A_115 : i1
      %and3A_117 = arith.andi %ne3A_116, %ne3A_111 : i1
      %add3A_118 = arith.addi %rem3A_109, %select_n3A_108 : i32
      %select_n3A_119 = arith.select %and3A_117, %add3A_118, %rem3A_109 : i32
      %mul3A_120 = arith.constant 16 : i32
      %mul3A_121 = arith.muli %select_n3A_63, %mul3A_120 : i32
      %multiple_of3A = tpu.assume_multiple %mul3A_121, 16 : i32
      %mul3A_122 = arith.constant 16 : i32
      %mul3A_123 = arith.muli %select_n3A_103, %mul3A_122 : i32
      %multiple_of3A_124 = tpu.assume_multiple %mul3A_123, 16 : i32
      %mul3A_125 = arith.constant 16 : i32
      %mul3A_126 = arith.muli %select_n3A_119, %mul3A_125 : i32
      %multiple_of3A_127 = tpu.assume_multiple %mul3A_126, 16 : i32
      %sub3A_128 = arith.constant 8 : i32
      %sub3A_129 = arith.subi %multiple_of3A, %sub3A_128 : i32
      %jit3A_130 = arith.constant 0 : i32
      %jit3A_131 = arith.constant 96 : i32
      %max3A = arith.maxsi %jit3A_130, %sub3A_129 : i32
      %min3A = arith.minsi %jit3A_131, %max3A : i32
      %multiple_of3A_132 = tpu.assume_multiple %min3A, 8 : i32
      %sub3A_133 = arith.constant 8 : i32
      %sub3A_134 = arith.subi %multiple_of3A_124, %sub3A_133 : i32
      %jit3A_135 = arith.constant 0 : i32
      %jit3A_136 = arith.constant 96 : i32
      %max3A_137 = arith.maxsi %jit3A_135, %sub3A_134 : i32
      %min3A_138 = arith.minsi %jit3A_136, %max3A_137 : i32
      %multiple_of3A_139 = tpu.assume_multiple %min3A_138, 8 : i32
      %sub3A_140 = arith.constant 8 : i32
      %sub3A_141 = arith.subi %multiple_of3A_127, %sub3A_140 : i32
      %jit3A_142 = arith.constant 0 : i32
      %jit3A_143 = arith.constant 96 : i32
      %max3A_144 = arith.maxsi %jit3A_142, %sub3A_141 : i32
      %min3A_145 = arith.minsi %jit3A_143, %max3A_144 : i32
      %multiple_of3A_146 = tpu.assume_multiple %min3A_145, 8 : i32
      %run_scoped3A = arith.constant 0 : i32
      %run_scoped3A_147 = arith.constant 0 : i32
      "tpu.region"() ({
        %run_scoped3A_164 = tpu.sem_alloc : memref<!tpu.dma_semaphore, #tpu.memory_space<semaphore_mem>>
        %dma_start3A = arith.constant 0 : i32
        %dma_start3A_165 = arith.constant 0 : i32
        %dma_start3A_166 = arith.constant 0 : i32
        %dma_start3A_167 = tpu.memref_slice %arg5[%run_scoped3A_147, %dma_start3A, %dma_start3A_165, %dma_start3A_166] : memref<2x32x32x32xf32, #tpu.memory_space<vmem>> -> memref<1x32x32x32xf32, #tpu.memory_space<vmem>>
        %dma_start3A_168 = tpu.memref_squeeze %dma_start3A_167 : memref<1x32x32x32xf32, #tpu.memory_space<vmem>> -> memref<32x32x32xf32, #tpu.memory_space<vmem>>
        %dma_start3A_169 = tpu.memref_slice %arg2[%select_n3A, %run_scoped3A, %multiple_of3A_132, %multiple_of3A_139, %multiple_of3A_146] : memref<2x2x128x128x128xf32, #tpu.memory_space<hbm>> -> memref<1x1x32x32x32xf32, #tpu.memory_space<hbm>>
        %dma_start3A_170 = tpu.memref_squeeze %dma_start3A_169 : memref<1x1x32x32x32xf32, #tpu.memory_space<hbm>> -> memref<32x32x32xf32, #tpu.memory_space<hbm>>
        %dma_start3A_171 = arith.constant 0 : i32
        %dma_start3A_172 = arith.constant 0 : i32
        %dma_start3A_173 = arith.constant 0 : i32
        %dma_start3A_174 = tpu.memref_slice %arg5[%run_scoped3A_147, %dma_start3A_171, %dma_start3A_172, %dma_start3A_173] : memref<2x32x32x32xf32, #tpu.memory_space<vmem>> -> memref<1x32x32x32xf32, #tpu.memory_space<vmem>>
        %dma_start3A_175 = tpu.memref_squeeze %dma_start3A_174 : memref<1x32x32x32xf32, #tpu.memory_space<vmem>> -> memref<32x32x32xf32, #tpu.memory_space<vmem>>
        %dma_start3A_176 = tpu.memref_slice %arg2[%select_n3A, %run_scoped3A, %multiple_of3A_132, %multiple_of3A_139, %multiple_of3A_146] : memref<2x2x128x128x128xf32, #tpu.memory_space<hbm>> -> memref<1x1x32x32x32xf32, #tpu.memory_space<hbm>>
        %dma_start3A_177 = tpu.memref_squeeze %dma_start3A_176 : memref<1x1x32x32x32xf32, #tpu.memory_space<hbm>> -> memref<32x32x32xf32, #tpu.memory_space<hbm>>
        tpu.enqueue_dma source(%dma_start3A_177 : memref<32x32x32xf32, #tpu.memory_space<hbm>>) target(%dma_start3A_175 : memref<32x32x32xf32, #tpu.memory_space<vmem>>) target_semaphore(%run_scoped3A_164 : memref<!tpu.dma_semaphore, #tpu.memory_space<semaphore_mem>>)
        %dma_wait3A = arith.constant 0 : i32
        %dma_wait3A_178 = arith.constant 0 : i32
        %dma_wait3A_179 = arith.constant 0 : i32
        %dma_wait3A_180 = tpu.memref_slice %arg5[%run_scoped3A_147, %dma_wait3A, %dma_wait3A_178, %dma_wait3A_179] : memref<2x32x32x32xf32, #tpu.memory_space<vmem>> -> memref<1x32x32x32xf32, #tpu.memory_space<vmem>>
        %dma_wait3A_181 = tpu.memref_squeeze %dma_wait3A_180 : memref<1x32x32x32xf32, #tpu.memory_space<vmem>> -> memref<32x32x32xf32, #tpu.memory_space<vmem>>
        %dma_wait3A_182 = tpu.memref_slice %arg2[%select_n3A, %run_scoped3A, %multiple_of3A_132, %multiple_of3A_139, %multiple_of3A_146] : memref<2x2x128x128x128xf32, #tpu.memory_space<hbm>> -> memref<1x1x32x32x32xf32, #tpu.memory_space<hbm>>
        %dma_wait3A_183 = tpu.memref_squeeze %dma_wait3A_182 : memref<1x1x32x32x32xf32, #tpu.memory_space<hbm>> -> memref<32x32x32xf32, #tpu.memory_space<hbm>>
        %dma_wait3A_184 = arith.constant 0 : i32
        %dma_wait3A_185 = arith.constant 0 : i32
        %dma_wait3A_186 = arith.constant 0 : i32
        %dma_wait3A_187 = tpu.memref_slice %arg5[%run_scoped3A_147, %dma_wait3A_184, %dma_wait3A_185, %dma_wait3A_186] : memref<2x32x32x32xf32, #tpu.memory_space<vmem>> -> memref<1x32x32x32xf32, #tpu.memory_space<vmem>>
        %dma_wait3A_188 = tpu.memref_squeeze %dma_wait3A_187 : memref<1x32x32x32xf32, #tpu.memory_space<vmem>> -> memref<32x32x32xf32, #tpu.memory_space<vmem>>
        %dma_wait3A_189 = tpu.memref_slice %arg2[%select_n3A, %run_scoped3A, %multiple_of3A_132, %multiple_of3A_139, %multiple_of3A_146] : memref<2x2x128x128x128xf32, #tpu.memory_space<hbm>> -> memref<1x1x32x32x32xf32, #tpu.memory_space<hbm>>
        %dma_wait3A_190 = tpu.memref_squeeze %dma_wait3A_189 : memref<1x1x32x32x32xf32, #tpu.memory_space<hbm>> -> memref<32x32x32xf32, #tpu.memory_space<hbm>>
        tpu.wait_dma2 semaphore(%run_scoped3A_164 : memref<!tpu.dma_semaphore, #tpu.memory_space<semaphore_mem>>) src(%dma_wait3A_190 : memref<32x32x32xf32, #tpu.memory_space<hbm>>) dst(%dma_wait3A_188 : memref<32x32x32xf32, #tpu.memory_space<vmem>>)
        tpu.yield
      }) : () -> ()
      %run_scoped3A_148 = arith.constant 1 : i32
      %run_scoped3A_149 = arith.constant 1 : i32
      "tpu.region"() ({
        %run_scoped3A_164 = tpu.sem_alloc : memref<!tpu.dma_semaphore, #tpu.memory_space<semaphore_mem>>
        %dma_start3A = arith.constant 0 : i32
        %dma_start3A_165 = arith.constant 0 : i32
        %dma_start3A_166 = arith.constant 0 : i32
        %dma_start3A_167 = tpu.memref_slice %arg5[%run_scoped3A_149, %dma_start3A, %dma_start3A_165, %dma_start3A_166] : memref<2x32x32x32xf32, #tpu.memory_space<vmem>> -> memref<1x32x32x32xf32, #tpu.memory_space<vmem>>
        %dma_start3A_168 = tpu.memref_squeeze %dma_start3A_167 : memref<1x32x32x32xf32, #tpu.memory_space<vmem>> -> memref<32x32x32xf32, #tpu.memory_space<vmem>>
        %dma_start3A_169 = tpu.memref_slice %arg2[%select_n3A, %run_scoped3A_148, %multiple_of3A_132, %multiple_of3A_139, %multiple_of3A_146] : memref<2x2x128x128x128xf32, #tpu.memory_space<hbm>> -> memref<1x1x32x32x32xf32, #tpu.memory_space<hbm>>
        %dma_start3A_170 = tpu.memref_squeeze %dma_start3A_169 : memref<1x1x32x32x32xf32, #tpu.memory_space<hbm>> -> memref<32x32x32xf32, #tpu.memory_space<hbm>>
        %dma_start3A_171 = arith.constant 0 : i32
        %dma_start3A_172 = arith.constant 0 : i32
        %dma_start3A_173 = arith.constant 0 : i32
        %dma_start3A_174 = tpu.memref_slice %arg5[%run_scoped3A_149, %dma_start3A_171, %dma_start3A_172, %dma_start3A_173] : memref<2x32x32x32xf32, #tpu.memory_space<vmem>> -> memref<1x32x32x32xf32, #tpu.memory_space<vmem>>
        %dma_start3A_175 = tpu.memref_squeeze %dma_start3A_174 : memref<1x32x32x32xf32, #tpu.memory_space<vmem>> -> memref<32x32x32xf32, #tpu.memory_space<vmem>>
        %dma_start3A_176 = tpu.memref_slice %arg2[%select_n3A, %run_scoped3A_148, %multiple_of3A_132, %multiple_of3A_139, %multiple_of3A_146] : memref<2x2x128x128x128xf32, #tpu.memory_space<hbm>> -> memref<1x1x32x32x32xf32, #tpu.memory_space<hbm>>
        %dma_start3A_177 = tpu.memref_squeeze %dma_start3A_176 : memref<1x1x32x32x32xf32, #tpu.memory_space<hbm>> -> memref<32x32x32xf32, #tpu.memory_space<hbm>>
        tpu.enqueue_dma source(%dma_start3A_177 : memref<32x32x32xf32, #tpu.memory_space<hbm>>) target(%dma_start3A_175 : memref<32x32x32xf32, #tpu.memory_space<vmem>>) target_semaphore(%run_scoped3A_164 : memref<!tpu.dma_semaphore, #tpu.memory_space<semaphore_mem>>)
        %dma_wait3A = arith.constant 0 : i32
        %dma_wait3A_178 = arith.constant 0 : i32
        %dma_wait3A_179 = arith.constant 0 : i32
        %dma_wait3A_180 = tpu.memref_slice %arg5[%run_scoped3A_149, %dma_wait3A, %dma_wait3A_178, %dma_wait3A_179] : memref<2x32x32x32xf32, #tpu.memory_space<vmem>> -> memref<1x32x32x32xf32, #tpu.memory_space<vmem>>
        %dma_wait3A_181 = tpu.memref_squeeze %dma_wait3A_180 : memref<1x32x32x32xf32, #tpu.memory_space<vmem>> -> memref<32x32x32xf32, #tpu.memory_space<vmem>>
        %dma_wait3A_182 = tpu.memref_slice %arg2[%select_n3A, %run_scoped3A_148, %multiple_of3A_132, %multiple_of3A_139, %multiple_of3A_146] : memref<2x2x128x128x128xf32, #tpu.memory_space<hbm>> -> memref<1x1x32x32x32xf32, #tpu.memory_space<hbm>>
        %dma_wait3A_183 = tpu.memref_squeeze %dma_wait3A_182 : memref<1x1x32x32x32xf32, #tpu.memory_space<hbm>> -> memref<32x32x32xf32, #tpu.memory_space<hbm>>
        %dma_wait3A_184 = arith.constant 0 : i32
        %dma_wait3A_185 = arith.constant 0 : i32
        %dma_wait3A_186 = arith.constant 0 : i32
        %dma_wait3A_187 = tpu.memref_slice %arg5[%run_scoped3A_149, %dma_wait3A_184, %dma_wait3A_185, %dma_wait3A_186] : memref<2x32x32x32xf32, #tpu.memory_space<vmem>> -> memref<1x32x32x32xf32, #tpu.memory_space<vmem>>
        %dma_wait3A_188 = tpu.memref_squeeze %dma_wait3A_187 : memref<1x32x32x32xf32, #tpu.memory_space<vmem>> -> memref<32x32x32xf32, #tpu.memory_space<vmem>>
        %dma_wait3A_189 = tpu.memref_slice %arg2[%select_n3A, %run_scoped3A_148, %multiple_of3A_132, %multiple_of3A_139, %multiple_of3A_146] : memref<2x2x128x128x128xf32, #tpu.memory_space<hbm>> -> memref<1x1x32x32x32xf32, #tpu.memory_space<hbm>>
        %dma_wait3A_190 = tpu.memref_squeeze %dma_wait3A_189 : memref<1x1x32x32x32xf32, #tpu.memory_space<hbm>> -> memref<32x32x32xf32, #tpu.memory_space<hbm>>
        tpu.wait_dma2 semaphore(%run_scoped3A_164 : memref<!tpu.dma_semaphore, #tpu.memory_space<semaphore_mem>>) src(%dma_wait3A_190 : memref<32x32x32xf32, #tpu.memory_space<hbm>>) dst(%dma_wait3A_188 : memref<32x32x32xf32, #tpu.memory_space<vmem>>)
        tpu.yield
      }) : () -> ()
      %run_scoped3A_150 = arith.constant 0 : i32
      %run_scoped3A_151 = arith.constant 0 : i32
      "tpu.region"() ({
        %run_scoped3A_164 = tpu.sem_alloc : memref<!tpu.dma_semaphore, #tpu.memory_space<semaphore_mem>>
        %dma_start3A = arith.constant 0 : i32
        %dma_start3A_165 = arith.constant 0 : i32
        %dma_start3A_166 = arith.constant 0 : i32
        %dma_start3A_167 = tpu.memref_slice %arg6[%run_scoped3A_151, %dma_start3A, %dma_start3A_165, %dma_start3A_166] : memref<3x16x16x16xf32, #tpu.memory_space<vmem>> -> memref<1x16x16x16xf32, #tpu.memory_space<vmem>>
        %dma_start3A_168 = tpu.memref_squeeze %dma_start3A_167 : memref<1x16x16x16xf32, #tpu.memory_space<vmem>> -> memref<16x16x16xf32, #tpu.memory_space<vmem>>
        %dma_start3A_169 = tpu.memref_slice %arg3[%select_n3A, %run_scoped3A_150, %multiple_of3A, %multiple_of3A_124, %multiple_of3A_127] : memref<2x3x128x128x128xf32, #tpu.memory_space<hbm>> -> memref<1x1x16x16x16xf32, #tpu.memory_space<hbm>>
        %dma_start3A_170 = tpu.memref_squeeze %dma_start3A_169 : memref<1x1x16x16x16xf32, #tpu.memory_space<hbm>> -> memref<16x16x16xf32, #tpu.memory_space<hbm>>
        %dma_start3A_171 = arith.constant 0 : i32
        %dma_start3A_172 = arith.constant 0 : i32
        %dma_start3A_173 = arith.constant 0 : i32
        %dma_start3A_174 = tpu.memref_slice %arg6[%run_scoped3A_151, %dma_start3A_171, %dma_start3A_172, %dma_start3A_173] : memref<3x16x16x16xf32, #tpu.memory_space<vmem>> -> memref<1x16x16x16xf32, #tpu.memory_space<vmem>>
        %dma_start3A_175 = tpu.memref_squeeze %dma_start3A_174 : memref<1x16x16x16xf32, #tpu.memory_space<vmem>> -> memref<16x16x16xf32, #tpu.memory_space<vmem>>
        %dma_start3A_176 = tpu.memref_slice %arg3[%select_n3A, %run_scoped3A_150, %multiple_of3A, %multiple_of3A_124, %multiple_of3A_127] : memref<2x3x128x128x128xf32, #tpu.memory_space<hbm>> -> memref<1x1x16x16x16xf32, #tpu.memory_space<hbm>>
        %dma_start3A_177 = tpu.memref_squeeze %dma_start3A_176 : memref<1x1x16x16x16xf32, #tpu.memory_space<hbm>> -> memref<16x16x16xf32, #tpu.memory_space<hbm>>
        tpu.enqueue_dma source(%dma_start3A_177 : memref<16x16x16xf32, #tpu.memory_space<hbm>>) target(%dma_start3A_175 : memref<16x16x16xf32, #tpu.memory_space<vmem>>) target_semaphore(%run_scoped3A_164 : memref<!tpu.dma_semaphore, #tpu.memory_space<semaphore_mem>>)
        %dma_wait3A = arith.constant 0 : i32
        %dma_wait3A_178 = arith.constant 0 : i32
        %dma_wait3A_179 = arith.constant 0 : i32
        %dma_wait3A_180 = tpu.memref_slice %arg6[%run_scoped3A_151, %dma_wait3A, %dma_wait3A_178, %dma_wait3A_179] : memref<3x16x16x16xf32, #tpu.memory_space<vmem>> -> memref<1x16x16x16xf32, #tpu.memory_space<vmem>>
        %dma_wait3A_181 = tpu.memref_squeeze %dma_wait3A_180 : memref<1x16x16x16xf32, #tpu.memory_space<vmem>> -> memref<16x16x16xf32, #tpu.memory_space<vmem>>
        %dma_wait3A_182 = tpu.memref_slice %arg3[%select_n3A, %run_scoped3A_150, %multiple_of3A, %multiple_of3A_124, %multiple_of3A_127] : memref<2x3x128x128x128xf32, #tpu.memory_space<hbm>> -> memref<1x1x16x16x16xf32, #tpu.memory_space<hbm>>
        %dma_wait3A_183 = tpu.memref_squeeze %dma_wait3A_182 : memref<1x1x16x16x16xf32, #tpu.memory_space<hbm>> -> memref<16x16x16xf32, #tpu.memory_space<hbm>>
        %dma_wait3A_184 = arith.constant 0 : i32
        %dma_wait3A_185 = arith.constant 0 : i32
        %dma_wait3A_186 = arith.constant 0 : i32
        %dma_wait3A_187 = tpu.memref_slice %arg6[%run_scoped3A_151, %dma_wait3A_184, %dma_wait3A_185, %dma_wait3A_186] : memref<3x16x16x16xf32, #tpu.memory_space<vmem>> -> memref<1x16x16x16xf32, #tpu.memory_space<vmem>>
        %dma_wait3A_188 = tpu.memref_squeeze %dma_wait3A_187 : memref<1x16x16x16xf32, #tpu.memory_space<vmem>> -> memref<16x16x16xf32, #tpu.memory_space<vmem>>
        %dma_wait3A_189 = tpu.memref_slice %arg3[%select_n3A, %run_scoped3A_150, %multiple_of3A, %multiple_of3A_124, %multiple_of3A_127] : memref<2x3x128x128x128xf32, #tpu.memory_space<hbm>> -> memref<1x1x16x16x16xf32, #tpu.memory_space<hbm>>
        %dma_wait3A_190 = tpu.memref_squeeze %dma_wait3A_189 : memref<1x1x16x16x16xf32, #tpu.memory_space<hbm>> -> memref<16x16x16xf32, #tpu.memory_space<hbm>>
        tpu.wait_dma2 semaphore(%run_scoped3A_164 : memref<!tpu.dma_semaphore, #tpu.memory_space<semaphore_mem>>) src(%dma_wait3A_190 : memref<16x16x16xf32, #tpu.memory_space<hbm>>) dst(%dma_wait3A_188 : memref<16x16x16xf32, #tpu.memory_space<vmem>>)
        tpu.yield
      }) : () -> ()
      %run_scoped3A_152 = arith.constant 1 : i32
      %run_scoped3A_153 = arith.constant 1 : i32
      "tpu.region"() ({
        %run_scoped3A_164 = tpu.sem_alloc : memref<!tpu.dma_semaphore, #tpu.memory_space<semaphore_mem>>
        %dma_start3A = arith.constant 0 : i32
        %dma_start3A_165 = arith.constant 0 : i32
        %dma_start3A_166 = arith.constant 0 : i32
        %dma_start3A_167 = tpu.memref_slice %arg6[%run_scoped3A_153, %dma_start3A, %dma_start3A_165, %dma_start3A_166] : memref<3x16x16x16xf32, #tpu.memory_space<vmem>> -> memref<1x16x16x16xf32, #tpu.memory_space<vmem>>
        %dma_start3A_168 = tpu.memref_squeeze %dma_start3A_167 : memref<1x16x16x16xf32, #tpu.memory_space<vmem>> -> memref<16x16x16xf32, #tpu.memory_space<vmem>>
        %dma_start3A_169 = tpu.memref_slice %arg3[%select_n3A, %run_scoped3A_152, %multiple_of3A, %multiple_of3A_124, %multiple_of3A_127] : memref<2x3x128x128x128xf32, #tpu.memory_space<hbm>> -> memref<1x1x16x16x16xf32, #tpu.memory_space<hbm>>
        %dma_start3A_170 = tpu.memref_squeeze %dma_start3A_169 : memref<1x1x16x16x16xf32, #tpu.memory_space<hbm>> -> memref<16x16x16xf32, #tpu.memory_space<hbm>>
        %dma_start3A_171 = arith.constant 0 : i32
        %dma_start3A_172 = arith.constant 0 : i32
        %dma_start3A_173 = arith.constant 0 : i32
        %dma_start3A_174 = tpu.memref_slice %arg6[%run_scoped3A_153, %dma_start3A_171, %dma_start3A_172, %dma_start3A_173] : memref<3x16x16x16xf32, #tpu.memory_space<vmem>> -> memref<1x16x16x16xf32, #tpu.memory_space<vmem>>
        %dma_start3A_175 = tpu.memref_squeeze %dma_start3A_174 : memref<1x16x16x16xf32, #tpu.memory_space<vmem>> -> memref<16x16x16xf32, #tpu.memory_space<vmem>>
        %dma_start3A_176 = tpu.memref_slice %arg3[%select_n3A, %run_scoped3A_152, %multiple_of3A, %multiple_of3A_124, %multiple_of3A_127] : memref<2x3x128x128x128xf32, #tpu.memory_space<hbm>> -> memref<1x1x16x16x16xf32, #tpu.memory_space<hbm>>
        %dma_start3A_177 = tpu.memref_squeeze %dma_start3A_176 : memref<1x1x16x16x16xf32, #tpu.memory_space<hbm>> -> memref<16x16x16xf32, #tpu.memory_space<hbm>>
        tpu.enqueue_dma source(%dma_start3A_177 : memref<16x16x16xf32, #tpu.memory_space<hbm>>) target(%dma_start3A_175 : memref<16x16x16xf32, #tpu.memory_space<vmem>>) target_semaphore(%run_scoped3A_164 : memref<!tpu.dma_semaphore, #tpu.memory_space<semaphore_mem>>)
        %dma_wait3A = arith.constant 0 : i32
        %dma_wait3A_178 = arith.constant 0 : i32
        %dma_wait3A_179 = arith.constant 0 : i32
        %dma_wait3A_180 = tpu.memref_slice %arg6[%run_scoped3A_153, %dma_wait3A, %dma_wait3A_178, %dma_wait3A_179] : memref<3x16x16x16xf32, #tpu.memory_space<vmem>> -> memref<1x16x16x16xf32, #tpu.memory_space<vmem>>
        %dma_wait3A_181 = tpu.memref_squeeze %dma_wait3A_180 : memref<1x16x16x16xf32, #tpu.memory_space<vmem>> -> memref<16x16x16xf32, #tpu.memory_space<vmem>>
        %dma_wait3A_182 = tpu.memref_slice %arg3[%select_n3A, %run_scoped3A_152, %multiple_of3A, %multiple_of3A_124, %multiple_of3A_127] : memref<2x3x128x128x128xf32, #tpu.memory_space<hbm>> -> memref<1x1x16x16x16xf32, #tpu.memory_space<hbm>>
        %dma_wait3A_183 = tpu.memref_squeeze %dma_wait3A_182 : memref<1x1x16x16x16xf32, #tpu.memory_space<hbm>> -> memref<16x16x16xf32, #tpu.memory_space<hbm>>
        %dma_wait3A_184 = arith.constant 0 : i32
        %dma_wait3A_185 = arith.constant 0 : i32
        %dma_wait3A_186 = arith.constant 0 : i32
        %dma_wait3A_187 = tpu.memref_slice %arg6[%run_scoped3A_153, %dma_wait3A_184, %dma_wait3A_185, %dma_wait3A_186] : memref<3x16x16x16xf32, #tpu.memory_space<vmem>> -> memref<1x16x16x16xf32, #tpu.memory_space<vmem>>
        %dma_wait3A_188 = tpu.memref_squeeze %dma_wait3A_187 : memref<1x16x16x16xf32, #tpu.memory_space<vmem>> -> memref<16x16x16xf32, #tpu.memory_space<vmem>>
        %dma_wait3A_189 = tpu.memref_slice %arg3[%select_n3A, %run_scoped3A_152, %multiple_of3A, %multiple_of3A_124, %multiple_of3A_127] : memref<2x3x128x128x128xf32, #tpu.memory_space<hbm>> -> memref<1x1x16x16x16xf32, #tpu.memory_space<hbm>>
        %dma_wait3A_190 = tpu.memref_squeeze %dma_wait3A_189 : memref<1x1x16x16x16xf32, #tpu.memory_space<hbm>> -> memref<16x16x16xf32, #tpu.memory_space<hbm>>
        tpu.wait_dma2 semaphore(%run_scoped3A_164 : memref<!tpu.dma_semaphore, #tpu.memory_space<semaphore_mem>>) src(%dma_wait3A_190 : memref<16x16x16xf32, #tpu.memory_space<hbm>>) dst(%dma_wait3A_188 : memref<16x16x16xf32, #tpu.memory_space<vmem>>)
        tpu.yield
      }) : () -> ()
      %run_scoped3A_154 = arith.constant 2 : i32
      %run_scoped3A_155 = arith.constant 2 : i32
      "tpu.region"() ({
        %run_scoped3A_164 = tpu.sem_alloc : memref<!tpu.dma_semaphore, #tpu.memory_space<semaphore_mem>>
        %dma_start3A = arith.constant 0 : i32
        %dma_start3A_165 = arith.constant 0 : i32
        %dma_start3A_166 = arith.constant 0 : i32
        %dma_start3A_167 = tpu.memref_slice %arg6[%run_scoped3A_155, %dma_start3A, %dma_start3A_165, %dma_start3A_166] : memref<3x16x16x16xf32, #tpu.memory_space<vmem>> -> memref<1x16x16x16xf32, #tpu.memory_space<vmem>>
        %dma_start3A_168 = tpu.memref_squeeze %dma_start3A_167 : memref<1x16x16x16xf32, #tpu.memory_space<vmem>> -> memref<16x16x16xf32, #tpu.memory_space<vmem>>
        %dma_start3A_169 = tpu.memref_slice %arg3[%select_n3A, %run_scoped3A_154, %multiple_of3A, %multiple_of3A_124, %multiple_of3A_127] : memref<2x3x128x128x128xf32, #tpu.memory_space<hbm>> -> memref<1x1x16x16x16xf32, #tpu.memory_space<hbm>>
        %dma_start3A_170 = tpu.memref_squeeze %dma_start3A_169 : memref<1x1x16x16x16xf32, #tpu.memory_space<hbm>> -> memref<16x16x16xf32, #tpu.memory_space<hbm>>
        %dma_start3A_171 = arith.constant 0 : i32
        %dma_start3A_172 = arith.constant 0 : i32
        %dma_start3A_173 = arith.constant 0 : i32
        %dma_start3A_174 = tpu.memref_slice %arg6[%run_scoped3A_155, %dma_start3A_171, %dma_start3A_172, %dma_start3A_173] : memref<3x16x16x16xf32, #tpu.memory_space<vmem>> -> memref<1x16x16x16xf32, #tpu.memory_space<vmem>>
        %dma_start3A_175 = tpu.memref_squeeze %dma_start3A_174 : memref<1x16x16x16xf32, #tpu.memory_space<vmem>> -> memref<16x16x16xf32, #tpu.memory_space<vmem>>
        %dma_start3A_176 = tpu.memref_slice %arg3[%select_n3A, %run_scoped3A_154, %multiple_of3A, %multiple_of3A_124, %multiple_of3A_127] : memref<2x3x128x128x128xf32, #tpu.memory_space<hbm>> -> memref<1x1x16x16x16xf32, #tpu.memory_space<hbm>>
        %dma_start3A_177 = tpu.memref_squeeze %dma_start3A_176 : memref<1x1x16x16x16xf32, #tpu.memory_space<hbm>> -> memref<16x16x16xf32, #tpu.memory_space<hbm>>
        tpu.enqueue_dma source(%dma_start3A_177 : memref<16x16x16xf32, #tpu.memory_space<hbm>>) target(%dma_start3A_175 : memref<16x16x16xf32, #tpu.memory_space<vmem>>) target_semaphore(%run_scoped3A_164 : memref<!tpu.dma_semaphore, #tpu.memory_space<semaphore_mem>>)
        %dma_wait3A = arith.constant 0 : i32
        %dma_wait3A_178 = arith.constant 0 : i32
        %dma_wait3A_179 = arith.constant 0 : i32
        %dma_wait3A_180 = tpu.memref_slice %arg6[%run_scoped3A_155, %dma_wait3A, %dma_wait3A_178, %dma_wait3A_179] : memref<3x16x16x16xf32, #tpu.memory_space<vmem>> -> memref<1x16x16x16xf32, #tpu.memory_space<vmem>>
        %dma_wait3A_181 = tpu.memref_squeeze %dma_wait3A_180 : memref<1x16x16x16xf32, #tpu.memory_space<vmem>> -> memref<16x16x16xf32, #tpu.memory_space<vmem>>
        %dma_wait3A_182 = tpu.memref_slice %arg3[%select_n3A, %run_scoped3A_154, %multiple_of3A, %multiple_of3A_124, %multiple_of3A_127] : memref<2x3x128x128x128xf32, #tpu.memory_space<hbm>> -> memref<1x1x16x16x16xf32, #tpu.memory_space<hbm>>
        %dma_wait3A_183 = tpu.memref_squeeze %dma_wait3A_182 : memref<1x1x16x16x16xf32, #tpu.memory_space<hbm>> -> memref<16x16x16xf32, #tpu.memory_space<hbm>>
        %dma_wait3A_184 = arith.constant 0 : i32
        %dma_wait3A_185 = arith.constant 0 : i32
        %dma_wait3A_186 = arith.constant 0 : i32
        %dma_wait3A_187 = tpu.memref_slice %arg6[%run_scoped3A_155, %dma_wait3A_184, %dma_wait3A_185, %dma_wait3A_186] : memref<3x16x16x16xf32, #tpu.memory_space<vmem>> -> memref<1x16x16x16xf32, #tpu.memory_space<vmem>>
        %dma_wait3A_188 = tpu.memref_squeeze %dma_wait3A_187 : memref<1x16x16x16xf32, #tpu.memory_space<vmem>> -> memref<16x16x16xf32, #tpu.memory_space<vmem>>
        %dma_wait3A_189 = tpu.memref_slice %arg3[%select_n3A, %run_scoped3A_154, %multiple_of3A, %multiple_of3A_124, %multiple_of3A_127] : memref<2x3x128x128x128xf32, #tpu.memory_space<hbm>> -> memref<1x1x16x16x16xf32, #tpu.memory_space<hbm>>
        %dma_wait3A_190 = tpu.memref_squeeze %dma_wait3A_189 : memref<1x1x16x16x16xf32, #tpu.memory_space<hbm>> -> memref<16x16x16xf32, #tpu.memory_space<hbm>>
        tpu.wait_dma2 semaphore(%run_scoped3A_164 : memref<!tpu.dma_semaphore, #tpu.memory_space<semaphore_mem>>) src(%dma_wait3A_190 : memref<16x16x16xf32, #tpu.memory_space<hbm>>) dst(%dma_wait3A_188 : memref<16x16x16xf32, #tpu.memory_space<vmem>>)
        tpu.yield
      }) : () -> ()
      %sub3A_156 = arith.subi %multiple_of3A_127, %multiple_of3A_146 : i32
      %convert_element_type3A_157 = arith.sitofp %sub3A_156 : i32 to f32
      %scan3A_158 = arith.constant 0 : i32
      %scan3A_159 = arith.constant 0 : i32
      %scan3A_160 = arith.constant 256 : i32
      %scan3A_161 = arith.addi %scan3A_159, %scan3A_160 : i32
      %scan3A_162 = arith.constant 1 : i32
      scf.for %scan3A_164 = %scan3A_159 to %scan3A_161 step %scan3A_162  : i32 {
        %jit3A_165 = arith.constant 16 : i32
        %div3A_166 = arith.divsi %scan3A_164, %jit3A_165 : i32
        %sign3A_167 = arith.constant 0 : i32
        %sign3A_168 = arith.cmpi sgt, %scan3A_164, %sign3A_167 : i32
        %sign3A_169 = arith.extui %sign3A_168 : i1 to i32
        %sign3A_170 = arith.constant 0 : i32
        %sign3A_171 = arith.cmpi slt, %scan3A_164, %sign3A_170 : i32
        %sign3A_172 = arith.extui %sign3A_171 : i1 to i32
        %sign3A_173 = arith.subi %sign3A_169, %sign3A_172 : i32
        %sign3A_174 = arith.constant 0 : i32
        %sign3A_175 = arith.cmpi sgt, %jit3A_165, %sign3A_174 : i32
        %sign3A_176 = arith.extui %sign3A_175 : i1 to i32
        %sign3A_177 = arith.constant 0 : i32
        %sign3A_178 = arith.cmpi slt, %jit3A_165, %sign3A_177 : i32
        %sign3A_179 = arith.extui %sign3A_178 : i1 to i32
        %sign3A_180 = arith.subi %sign3A_176, %sign3A_179 : i32
        %ne3A_181 = arith.cmpi ne, %sign3A_173, %sign3A_180 : i32
        %rem3A_182 = arith.remsi %scan3A_164, %jit3A_165 : i32
        %ne3A_183 = arith.constant 0 : i32
        %ne3A_184 = arith.cmpi ne, %rem3A_182, %ne3A_183 : i32
        %and3A_185 = arith.andi %ne3A_181, %ne3A_184 : i1
        %sub3A_186 = arith.constant 1 : i32
        %sub3A_187 = arith.subi %div3A_166, %sub3A_186 : i32
        %select_n3A_188 = arith.select %and3A_185, %sub3A_187, %div3A_166 : i32
        %jit3A_189 = arith.constant 16 : i32
        %eq3A_190 = arith.constant 0 : i32
        %eq3A_191 = arith.cmpi eq, %jit3A_189, %eq3A_190 : i32
        %jit3A_192 = arith.constant 1 : i32
        %select_n3A_193 = arith.select %eq3A_191, %jit3A_192, %jit3A_189 : i32
        %rem3A_194 = arith.remsi %scan3A_164, %select_n3A_193 : i32
        %ne3A_195 = arith.constant 0 : i32
        %ne3A_196 = arith.cmpi ne, %rem3A_194, %ne3A_195 : i32
        %lt3A_197 = arith.constant 0 : i32
        %lt3A_198 = arith.cmpi slt, %rem3A_194, %lt3A_197 : i32
        %lt3A_199 = arith.constant 0 : i32
        %lt3A_200 = arith.cmpi slt, %select_n3A_193, %lt3A_199 : i32
        %ne3A_201 = arith.xori %lt3A_198, %lt3A_200 : i1
        %and3A_202 = arith.andi %ne3A_201, %ne3A_196 : i1
        %add3A_203 = arith.addi %rem3A_194, %select_n3A_193 : i32
        %select_n3A_204 = arith.select %and3A_202, %add3A_203, %rem3A_194 : i32
        %get3A = arith.constant 0 : i32
        %get3A_205 = arith.index_cast %get3A : i32 to index
        %get3A_206 = arith.index_cast %select_n3A_188 : i32 to index
        %get3A_207 = arith.index_cast %select_n3A_204 : i32 to index
        %get3A_208 = arith.constant 0 : index
        %get3A_209 = tpu.vector_load %arg6[%get3A_205, %get3A_206, %get3A_207, %get3A_208] {strides = array<i32>} : memref<3x16x16x16xf32, #tpu.memory_space<vmem>>, vector<16xf32>,
        %get3A_210 = arith.constant 1 : i32
        %get3A_211 = arith.index_cast %get3A_210 : i32 to index
        %get3A_212 = arith.index_cast %select_n3A_188 : i32 to index
        %get3A_213 = arith.index_cast %select_n3A_204 : i32 to index
        %get3A_214 = arith.constant 0 : index
        %get3A_215 = tpu.vector_load %arg6[%get3A_211, %get3A_212, %get3A_213, %get3A_214] {strides = array<i32>} : memref<3x16x16x16xf32, #tpu.memory_space<vmem>>, vector<16xf32>,
        %get3A_216 = arith.constant 2 : i32
        %get3A_217 = arith.index_cast %get3A_216 : i32 to index
        %get3A_218 = arith.index_cast %select_n3A_188 : i32 to index
        %get3A_219 = arith.index_cast %select_n3A_204 : i32 to index
        %get3A_220 = arith.constant 0 : index
        %get3A_221 = tpu.vector_load %arg6[%get3A_217, %get3A_218, %get3A_219, %get3A_220] {strides = array<i32>} : memref<3x16x16x16xf32, #tpu.memory_space<vmem>>, vector<16xf32>,
        %add3A_222 = arith.addi %multiple_of3A, %select_n3A_188 : i32
        %convert_element_type3A_223 = arith.sitofp %add3A_222 : i32 to f32
        %add3A_224 = arith.addi %multiple_of3A_124, %select_n3A_204 : i32
        %convert_element_type3A_225 = arith.sitofp %add3A_224 : i32 to f32
        %add3A_226 = vector.broadcast %convert_element_type3A_223 : f32 to vector<16xf32>
        %add3A_227 = arith.addf %add3A_226, %get3A_209 : vector<16xf32>
        %jit3A_228 = arith.constant 0.000000e+00 : f32
        %jit3A_229 = arith.constant 1.270000e+02 : f32
        %max3A_230 = vector.broadcast %jit3A_228 : f32 to vector<16xf32>
        %max3A_231 = arith.maximumf %max3A_230, %add3A_227 : vector<16xf32>
        %min3A_232 = vector.broadcast %jit3A_229 : f32 to vector<16xf32>
        %min3A_233 = arith.minimumf %min3A_232, %max3A_231 : vector<16xf32>
        %convert_element_type3A_234 = arith.sitofp %multiple_of3A_132 : i32 to f32
        %sub3A_235 = vector.broadcast %convert_element_type3A_234 : f32 to vector<16xf32>
        %sub3A_236 = arith.subf %min3A_233, %sub3A_235 : vector<16xf32>
        %add3A_237 = vector.broadcast %convert_element_type3A_225 : f32 to vector<16xf32>
        %add3A_238 = arith.addf %add3A_237, %get3A_215 : vector<16xf32>
        %jit3A_239 = arith.constant 0.000000e+00 : f32
        %jit3A_240 = arith.constant 1.270000e+02 : f32
        %max3A_241 = vector.broadcast %jit3A_239 : f32 to vector<16xf32>
        %max3A_242 = arith.maximumf %max3A_241, %add3A_238 : vector<16xf32>
        %min3A_243 = vector.broadcast %jit3A_240 : f32 to vector<16xf32>
        %min3A_244 = arith.minimumf %min3A_243, %max3A_242 : vector<16xf32>
        %convert_element_type3A_245 = arith.sitofp %multiple_of3A_139 : i32 to f32
        %sub3A_246 = vector.broadcast %convert_element_type3A_245 : f32 to vector<16xf32>
        %sub3A_247 = arith.subf %min3A_244, %sub3A_246 : vector<16xf32>
        %add3A_248 = vector.broadcast %convert_element_type3A_157 : f32 to vector<16xf32>
        %add3A_249 = arith.addf %add3A_248, %convert_element_type3A : vector<16xf32>
        %add3A_250 = arith.addf %add3A_249, %get3A_221 : vector<16xf32>
        %jit3A_251 = arith.constant 0.000000e+00 : f32
        %max3A_252 = vector.broadcast %jit3A_251 : f32 to vector<16xf32>
        %max3A_253 = arith.maximumf %max3A_252, %add3A_250 : vector<16xf32>
        %convert_element_type3A_254 = arith.sitofp %multiple_of3A_146 : i32 to f32
        %sub3A_255 = arith.constant 1.270000e+02 : f32
        %sub3A_256 = arith.subf %sub3A_255, %convert_element_type3A_254 : f32
        %min3A_257 = vector.broadcast %sub3A_256 : f32 to vector<16xf32>
        %min3A_258 = arith.minimumf %max3A_253, %min3A_257 : vector<16xf32>
        %convert_element_type3A_259 = arith.fptosi %sub3A_236 : vector<16xf32> to vector<16xi32>
        %convert_element_type3A_260 = arith.fptosi %sub3A_247 : vector<16xf32> to vector<16xi32>
        %convert_element_type3A_261 = arith.fptosi %min3A_258 : vector<16xf32> to vector<16xi32>
        %sub3A_262 = arith.constant 127 : i32
        %sub3A_263 = arith.subi %sub3A_262, %multiple_of3A_132 : i32
        %sub3A_264 = arith.constant 127 : i32
        %sub3A_265 = arith.subi %sub3A_264, %multiple_of3A_139 : i32
        %sub3A_266 = arith.constant 127 : i32
        %sub3A_267 = arith.subi %sub3A_266, %multiple_of3A_146 : i32
        %add3A_268 = arith.constant 1 : i32
        %add3A_269 = vector.broadcast %add3A_268 : i32 to vector<16xi32>
        %add3A_270 = arith.addi %convert_element_type3A_259, %add3A_269 : vector<16xi32>
        %min3A_271 = vector.broadcast %sub3A_263 : i32 to vector<16xi32>
        %min3A_272 = arith.minsi %add3A_270, %min3A_271 : vector<16xi32>
        %add3A_273 = arith.constant 1 : i32
        %add3A_274 = vector.broadcast %add3A_273 : i32 to vector<16xi32>
        %add3A_275 = arith.addi %convert_element_type3A_260, %add3A_274 : vector<16xi32>
        %min3A_276 = vector.broadcast %sub3A_265 : i32 to vector<16xi32>
        %min3A_277 = arith.minsi %add3A_275, %min3A_276 : vector<16xi32>
        %add3A_278 = arith.constant 1 : i32
        %add3A_279 = vector.broadcast %add3A_278 : i32 to vector<16xi32>
        %add3A_280 = arith.addi %convert_element_type3A_261, %add3A_279 : vector<16xi32>
        %min3A_281 = vector.broadcast %sub3A_267 : i32 to vector<16xi32>
        %min3A_282 = arith.minsi %add3A_280, %min3A_281 : vector<16xi32>
        %convert_element_type3A_283 = arith.sitofp %min3A_272 : vector<16xi32> to vector<16xf32>
        %sub3A_284 = arith.subf %convert_element_type3A_283, %sub3A_236 : vector<16xf32>
        %jit3A_285 = arith.constant 0.000000e+00 : f32
        %jit3A_286 = arith.constant 1.000000e+00 : f32
        %max3A_287 = vector.broadcast %jit3A_285 : f32 to vector<16xf32>
        %max3A_288 = arith.maximumf %max3A_287, %sub3A_284 : vector<16xf32>
        %min3A_289 = vector.broadcast %jit3A_286 : f32 to vector<16xf32>
        %min3A_290 = arith.minimumf %min3A_289, %max3A_288 : vector<16xf32>
        %convert_element_type3A_291 = arith.sitofp %min3A_277 : vector<16xi32> to vector<16xf32>
        %sub3A_292 = arith.subf %convert_element_type3A_291, %sub3A_247 : vector<16xf32>
        %jit3A_293 = arith.constant 0.000000e+00 : f32
        %jit3A_294 = arith.constant 1.000000e+00 : f32
        %max3A_295 = vector.broadcast %jit3A_293 : f32 to vector<16xf32>
        %max3A_296 = arith.maximumf %max3A_295, %sub3A_292 : vector<16xf32>
        %min3A_297 = vector.broadcast %jit3A_294 : f32 to vector<16xf32>
        %min3A_298 = arith.minimumf %min3A_297, %max3A_296 : vector<16xf32>
        %convert_element_type3A_299 = arith.sitofp %min3A_282 : vector<16xi32> to vector<16xf32>
        %sub3A_300 = arith.subf %convert_element_type3A_299, %min3A_258 : vector<16xf32>
        %jit3A_301 = arith.constant 0.000000e+00 : f32
        %jit3A_302 = arith.constant 1.000000e+00 : f32
        %max3A_303 = vector.broadcast %jit3A_301 : f32 to vector<16xf32>
        %max3A_304 = arith.maximumf %max3A_303, %sub3A_300 : vector<16xf32>
        %min3A_305 = vector.broadcast %jit3A_302 : f32 to vector<16xf32>
        %min3A_306 = arith.minimumf %min3A_305, %max3A_304 : vector<16xf32>
        %sub3A_307 = arith.constant 1.000000e+00 : f32
        %sub3A_308 = vector.broadcast %sub3A_307 : f32 to vector<16xf32>
        %sub3A_309 = arith.subf %sub3A_308, %min3A_290 : vector<16xf32>
        %sub3A_310 = arith.constant 1.000000e+00 : f32
        %sub3A_311 = vector.broadcast %sub3A_310 : f32 to vector<16xf32>
        %sub3A_312 = arith.subf %sub3A_311, %min3A_298 : vector<16xf32>
        %sub3A_313 = arith.constant 1.000000e+00 : f32
        %sub3A_314 = vector.broadcast %sub3A_313 : f32 to vector<16xf32>
        %sub3A_315 = arith.subf %sub3A_314, %min3A_306 : vector<16xf32>
        %mul3A_316 = arith.mulf %min3A_290, %min3A_298 : vector<16xf32>
        %mul3A_317 = arith.mulf %min3A_290, %sub3A_312 : vector<16xf32>
        %mul3A_318 = arith.mulf %sub3A_309, %min3A_298 : vector<16xf32>
        %mul3A_319 = arith.mulf %sub3A_309, %sub3A_312 : vector<16xf32>
        %broadcast_in_dim3A = arith.constant 0 : i32
        %broadcast_in_dim3A_320 = vector.broadcast %broadcast_in_dim3A : i32 to vector<16xi32>
        %gather3A = tpu.vector_load_idx %arg5[%broadcast_in_dim3A_320, %convert_element_type3A_259, %convert_element_type3A_260, %convert_element_type3A_261] : memref<2x32x32x32xf32, #tpu.memory_space<vmem>>[vector<16xi32>, vector<16xi32>, vector<16xi32>, vector<16xi32>], vector<16xf32>,
        %gather3A_321 = tpu.vector_load_idx %arg5[%broadcast_in_dim3A_320, %convert_element_type3A_259, %convert_element_type3A_260, %min3A_282] : memref<2x32x32x32xf32, #tpu.memory_space<vmem>>[vector<16xi32>, vector<16xi32>, vector<16xi32>, vector<16xi32>], vector<16xf32>,
        %gather3A_322 = tpu.vector_load_idx %arg5[%broadcast_in_dim3A_320, %convert_element_type3A_259, %min3A_277, %convert_element_type3A_261] : memref<2x32x32x32xf32, #tpu.memory_space<vmem>>[vector<16xi32>, vector<16xi32>, vector<16xi32>, vector<16xi32>], vector<16xf32>,
        %gather3A_323 = tpu.vector_load_idx %arg5[%broadcast_in_dim3A_320, %convert_element_type3A_259, %min3A_277, %min3A_282] : memref<2x32x32x32xf32, #tpu.memory_space<vmem>>[vector<16xi32>, vector<16xi32>, vector<16xi32>, vector<16xi32>], vector<16xf32>,
        %gather3A_324 = tpu.vector_load_idx %arg5[%broadcast_in_dim3A_320, %min3A_272, %convert_element_type3A_260, %convert_element_type3A_261] : memref<2x32x32x32xf32, #tpu.memory_space<vmem>>[vector<16xi32>, vector<16xi32>, vector<16xi32>, vector<16xi32>], vector<16xf32>,
        %gather3A_325 = tpu.vector_load_idx %arg5[%broadcast_in_dim3A_320, %min3A_272, %convert_element_type3A_260, %min3A_282] : memref<2x32x32x32xf32, #tpu.memory_space<vmem>>[vector<16xi32>, vector<16xi32>, vector<16xi32>, vector<16xi32>], vector<16xf32>,
        %gather3A_326 = tpu.vector_load_idx %arg5[%broadcast_in_dim3A_320, %min3A_272, %min3A_277, %convert_element_type3A_261] : memref<2x32x32x32xf32, #tpu.memory_space<vmem>>[vector<16xi32>, vector<16xi32>, vector<16xi32>, vector<16xi32>], vector<16xf32>,
        %gather3A_327 = tpu.vector_load_idx %arg5[%broadcast_in_dim3A_320, %min3A_272, %min3A_277, %min3A_282] : memref<2x32x32x32xf32, #tpu.memory_space<vmem>>[vector<16xi32>, vector<16xi32>, vector<16xi32>, vector<16xi32>], vector<16xf32>,
        %mul3A_328 = arith.mulf %gather3A, %min3A_306 : vector<16xf32>
        %mul3A_329 = arith.mulf %gather3A_321, %sub3A_315 : vector<16xf32>
        %add3A_330 = arith.addf %mul3A_328, %mul3A_329 : vector<16xf32>
        %mul3A_331 = arith.mulf %mul3A_316, %add3A_330 : vector<16xf32>
        %mul3A_332 = arith.mulf %gather3A_322, %min3A_306 : vector<16xf32>
        %mul3A_333 = arith.mulf %gather3A_323, %sub3A_315 : vector<16xf32>
        %add3A_334 = arith.addf %mul3A_332, %mul3A_333 : vector<16xf32>
        %mul3A_335 = arith.mulf %mul3A_317, %add3A_334 : vector<16xf32>
        %add3A_336 = arith.addf %mul3A_331, %mul3A_335 : vector<16xf32>
        %mul3A_337 = arith.mulf %gather3A_324, %min3A_306 : vector<16xf32>
        %mul3A_338 = arith.mulf %gather3A_325, %sub3A_315 : vector<16xf32>
        %add3A_339 = arith.addf %mul3A_337, %mul3A_338 : vector<16xf32>
        %mul3A_340 = arith.mulf %mul3A_318, %add3A_339 : vector<16xf32>
        %add3A_341 = arith.addf %add3A_336, %mul3A_340 : vector<16xf32>
        %mul3A_342 = arith.mulf %gather3A_326, %min3A_306 : vector<16xf32>
        %mul3A_343 = arith.mulf %gather3A_327, %sub3A_315 : vector<16xf32>
        %add3A_344 = arith.addf %mul3A_342, %mul3A_343 : vector<16xf32>
        %mul3A_345 = arith.mulf %mul3A_319, %add3A_344 : vector<16xf32>
        %add3A_346 = arith.addf %add3A_341, %mul3A_345 : vector<16xf32>
        %swap3A = arith.constant 0 : i32
        %swap3A_347 = arith.index_cast %swap3A : i32 to index
        %swap3A_348 = arith.index_cast %select_n3A_188 : i32 to index
        %swap3A_349 = arith.index_cast %select_n3A_204 : i32 to index
        %swap3A_350 = arith.constant 0 : index
        %swap3A_351 = tpu.vector_load %arg7[%swap3A_347, %swap3A_348, %swap3A_349, %swap3A_350] {strides = array<i32>} : memref<2x16x16x16xf32, #tpu.memory_space<vmem>>, vector<16xf32>,
        tpu.vector_store %arg7[%swap3A_347, %swap3A_348, %swap3A_349, %swap3A_350], %add3A_346 {strides = array<i32>} : memref<2x16x16x16xf32, #tpu.memory_space<vmem>>, vector<16xf32>,
        %broadcast_in_dim3A_352 = arith.constant 1 : i32
        %broadcast_in_dim3A_353 = vector.broadcast %broadcast_in_dim3A_352 : i32 to vector<16xi32>
        %gather3A_354 = tpu.vector_load_idx %arg5[%broadcast_in_dim3A_353, %convert_element_type3A_259, %convert_element_type3A_260, %convert_element_type3A_261] : memref<2x32x32x32xf32, #tpu.memory_space<vmem>>[vector<16xi32>, vector<16xi32>, vector<16xi32>, vector<16xi32>], vector<16xf32>,
        %gather3A_355 = tpu.vector_load_idx %arg5[%broadcast_in_dim3A_353, %convert_element_type3A_259, %convert_element_type3A_260, %min3A_282] : memref<2x32x32x32xf32, #tpu.memory_space<vmem>>[vector<16xi32>, vector<16xi32>, vector<16xi32>, vector<16xi32>], vector<16xf32>,
        %gather3A_356 = tpu.vector_load_idx %arg5[%broadcast_in_dim3A_353, %convert_element_type3A_259, %min3A_277, %convert_element_type3A_261] : memref<2x32x32x32xf32, #tpu.memory_space<vmem>>[vector<16xi32>, vector<16xi32>, vector<16xi32>, vector<16xi32>], vector<16xf32>,
        %gather3A_357 = tpu.vector_load_idx %arg5[%broadcast_in_dim3A_353, %convert_element_type3A_259, %min3A_277, %min3A_282] : memref<2x32x32x32xf32, #tpu.memory_space<vmem>>[vector<16xi32>, vector<16xi32>, vector<16xi32>, vector<16xi32>], vector<16xf32>,
        %gather3A_358 = tpu.vector_load_idx %arg5[%broadcast_in_dim3A_353, %min3A_272, %convert_element_type3A_260, %convert_element_type3A_261] : memref<2x32x32x32xf32, #tpu.memory_space<vmem>>[vector<16xi32>, vector<16xi32>, vector<16xi32>, vector<16xi32>], vector<16xf32>,
        %gather3A_359 = tpu.vector_load_idx %arg5[%broadcast_in_dim3A_353, %min3A_272, %convert_element_type3A_260, %min3A_282] : memref<2x32x32x32xf32, #tpu.memory_space<vmem>>[vector<16xi32>, vector<16xi32>, vector<16xi32>, vector<16xi32>], vector<16xf32>,
        %gather3A_360 = tpu.vector_load_idx %arg5[%broadcast_in_dim3A_353, %min3A_272, %min3A_277, %convert_element_type3A_261] : memref<2x32x32x32xf32, #tpu.memory_space<vmem>>[vector<16xi32>, vector<16xi32>, vector<16xi32>, vector<16xi32>], vector<16xf32>,
        %gather3A_361 = tpu.vector_load_idx %arg5[%broadcast_in_dim3A_353, %min3A_272, %min3A_277, %min3A_282] : memref<2x32x32x32xf32, #tpu.memory_space<vmem>>[vector<16xi32>, vector<16xi32>, vector<16xi32>, vector<16xi32>], vector<16xf32>,
        %mul3A_362 = arith.mulf %gather3A_354, %min3A_306 : vector<16xf32>
        %mul3A_363 = arith.mulf %gather3A_355, %sub3A_315 : vector<16xf32>
        %add3A_364 = arith.addf %mul3A_362, %mul3A_363 : vector<16xf32>
        %mul3A_365 = arith.mulf %mul3A_316, %add3A_364 : vector<16xf32>
        %mul3A_366 = arith.mulf %gather3A_356, %min3A_306 : vector<16xf32>
        %mul3A_367 = arith.mulf %gather3A_357, %sub3A_315 : vector<16xf32>
        %add3A_368 = arith.addf %mul3A_366, %mul3A_367 : vector<16xf32>
        %mul3A_369 = arith.mulf %mul3A_317, %add3A_368 : vector<16xf32>
        %add3A_370 = arith.addf %mul3A_365, %mul3A_369 : vector<16xf32>
        %mul3A_371 = arith.mulf %gather3A_358, %min3A_306 : vector<16xf32>
        %mul3A_372 = arith.mulf %gather3A_359, %sub3A_315 : vector<16xf32>
        %add3A_373 = arith.addf %mul3A_371, %mul3A_372 : vector<16xf32>
        %mul3A_374 = arith.mulf %mul3A_318, %add3A_373 : vector<16xf32>
        %add3A_375 = arith.addf %add3A_370, %mul3A_374 : vector<16xf32>
        %mul3A_376 = arith.mulf %gather3A_360, %min3A_306 : vector<16xf32>
        %mul3A_377 = arith.mulf %gather3A_361, %sub3A_315 : vector<16xf32>
        %add3A_378 = arith.addf %mul3A_376, %mul3A_377 : vector<16xf32>
        %mul3A_379 = arith.mulf %mul3A_319, %add3A_378 : vector<16xf32>
        %add3A_380 = arith.addf %add3A_375, %mul3A_379 : vector<16xf32>
        %swap3A_381 = arith.constant 1 : i32
        %swap3A_382 = arith.index_cast %swap3A_381 : i32 to index
        %swap3A_383 = arith.index_cast %select_n3A_188 : i32 to index
        %swap3A_384 = arith.index_cast %select_n3A_204 : i32 to index
        %swap3A_385 = arith.constant 0 : index
        %swap3A_386 = tpu.vector_load %arg7[%swap3A_382, %swap3A_383, %swap3A_384, %swap3A_385] {strides = array<i32>} : memref<2x16x16x16xf32, #tpu.memory_space<vmem>>, vector<16xf32>,
        tpu.vector_store %arg7[%swap3A_382, %swap3A_383, %swap3A_384, %swap3A_385], %add3A_380 {strides = array<i32>} : memref<2x16x16x16xf32, #tpu.memory_space<vmem>>, vector<16xf32>,
      }
      %scan3A_163 = arith.constant 256 : i32
      "tpu.region"() ({
        %run_scoped3A_164 = tpu.sem_alloc : memref<!tpu.dma_semaphore, #tpu.memory_space<semaphore_mem>>
        %dma_start3A = arith.constant 0 : i32
        %dma_start3A_165 = tpu.memref_slice %arg4[%select_n3A, %dma_start3A, %multiple_of3A, %multiple_of3A_124, %multiple_of3A_127] : memref<2x2x128x128x128xf32, #tpu.memory_space<hbm>> -> memref<1x2x16x16x16xf32, #tpu.memory_space<hbm>>
        %dma_start3A_166 = tpu.memref_squeeze %dma_start3A_165 : memref<1x2x16x16x16xf32, #tpu.memory_space<hbm>> -> memref<2x16x16x16xf32, #tpu.memory_space<hbm>>
        %dma_start3A_167 = arith.constant 0 : i32
        %dma_start3A_168 = tpu.memref_slice %arg4[%select_n3A, %dma_start3A_167, %multiple_of3A, %multiple_of3A_124, %multiple_of3A_127] : memref<2x2x128x128x128xf32, #tpu.memory_space<hbm>> -> memref<1x2x16x16x16xf32, #tpu.memory_space<hbm>>
        %dma_start3A_169 = tpu.memref_squeeze %dma_start3A_168 : memref<1x2x16x16x16xf32, #tpu.memory_space<hbm>> -> memref<2x16x16x16xf32, #tpu.memory_space<hbm>>
        tpu.enqueue_dma source(%arg7 : memref<2x16x16x16xf32, #tpu.memory_space<vmem>>) target(%dma_start3A_169 : memref<2x16x16x16xf32, #tpu.memory_space<hbm>>) target_semaphore(%run_scoped3A_164 : memref<!tpu.dma_semaphore, #tpu.memory_space<semaphore_mem>>)
        %dma_wait3A = arith.constant 0 : i32
        %dma_wait3A_170 = tpu.memref_slice %arg4[%select_n3A, %dma_wait3A, %multiple_of3A, %multiple_of3A_124, %multiple_of3A_127] : memref<2x2x128x128x128xf32, #tpu.memory_space<hbm>> -> memref<1x2x16x16x16xf32, #tpu.memory_space<hbm>>
        %dma_wait3A_171 = tpu.memref_squeeze %dma_wait3A_170 : memref<1x2x16x16x16xf32, #tpu.memory_space<hbm>> -> memref<2x16x16x16xf32, #tpu.memory_space<hbm>>
        %dma_wait3A_172 = arith.constant 0 : i32
        %dma_wait3A_173 = tpu.memref_slice %arg4[%select_n3A, %dma_wait3A_172, %multiple_of3A, %multiple_of3A_124, %multiple_of3A_127] : memref<2x2x128x128x128xf32, #tpu.memory_space<hbm>> -> memref<1x2x16x16x16xf32, #tpu.memory_space<hbm>>
        %dma_wait3A_174 = tpu.memref_squeeze %dma_wait3A_173 : memref<1x2x16x16x16xf32, #tpu.memory_space<hbm>> -> memref<2x16x16x16xf32, #tpu.memory_space<hbm>>
        tpu.wait_dma2 semaphore(%run_scoped3A_164 : memref<!tpu.dma_semaphore, #tpu.memory_space<semaphore_mem>>) src(%arg7 : memref<2x16x16x16xf32, #tpu.memory_space<vmem>>) dst(%dma_wait3A_174 : memref<2x16x16x16xf32, #tpu.memory_space<hbm>>)
        tpu.yield
      }) : () -> ()
    }
    %scan3A_5 = arith.constant 32 : i32
    return
  }
}

</mosaic_0001>

<sc_bundles>
// kernel: kernel.3.cloned.1.call-start
scs
__scs_entry_jumppad:
0x0: {  	(pc) =	sbr.rel $0x88, $3  }
0x1: {  	(tag) =	ssettag $0x0;
	lr =	simm.s32 $0x1  }
0x2: {  	[smem:$0x3F9F] =	sst lr;
	_ =	strace $0xD0000000  }
0x3: {  	_ = 	snop  }
0x4: {  	_ = 	snop  }
0x5: {  	_ = 	snop  }
0x6: {  	_ = 	snop  }
0x7: {  	_ = 	snop  }
__scs_overlays_trampoline_lowered:
0x8: {  	[smem:$0x3FAE] =	sst s0  }
0x9: {  	[smem:$0x3FAF] =	sst s1  }
0xa: {  	[smem:$0x3FB0] =	sst s2  }
0xb: {  	[smem:$0x3FB1] =	sst s3  }
0xc: {  	[smem:$0x3FB2] =	sst s4  }
0xd: {  	[smem:$0x3FB3] =	sst s5  }
0xe: {  	[smem:$0x3FB4] =	sst s6  }
0xf: {  	[smem:$0x3FB5] =	sst s7  }
0x10: {  	[smem:$0x3FB6] =	sst s8  }
0x11: {  	[smem:$0x3FB7] =	sst s9;
	s0 =	simm.s32 @!p0 $0x0  }
0x12: {  	s1 =	sld [smem:$0x3F9D];
	s0 =	simm.s32 @p0 $0x1  }
0x13: {  	[smem:$0x3FB8] =	sst s0;
	s0 =	simm.s32 @!p1 $0x0  }
0x14: {  	s2 =	sld [smem:$0x3F9C];
	s0 =	simm.s32 @p1 $0x1  }
0x15: {  	[smem:$0x3FB9] =	sst s0;
	s0 =	simm.s32 @!p2 $0x0  }
0x16: {  	s3 =	sld [smem:$0x3FDB];
	s0 =	simm.s32 @p2 $0x1  }
0x17: {  	s4 =	simm.s32 $0x1BF5;
	[smem:$0x3FBB] =	sst s0  }
0x18: {  	s0 =	sld [smem:$0x3F9E];
	_ =	swait.ge [sflag:s4], $0x0  }
0x19: {  	s7 =	sld [smem:$0x3F9F]  }
0x1a: {  	s8 =	sadd.s32 $0xFFFFE003, lr  }
0x1b: {  	s9 =	sadd.s32 $0xFFFFFEF7, lr;
	s5 =	simm.s32 $0xFFFFFFFF;
	p2 =	slt.u32 s8, $0xFFFFF086  }
0x1c: {  	p1 =	slt.u32 s9, $0xF7A;
	s5 =	simm.s32 @!p2 $0x0  }
0x1d: {  	s5 =	simm.s32 @p1 $0x1;
	p0 =	seq.s32 s7, s2  }
0x1e: {  	s7 =	smul.u32 @!p0 $0xF7A, s2;
	p2 =	seq.s32 @!p0 s5, $0x0  }
0x1f: {  	s9 =	smul.u32 $0xF7A, s1;
	s8 =	simm.s32 @!p0 $0x1BF5;
	p2 =	por !p2, p0  }
0x20: {  	[sflag:s8] =	ssyncset.s32 @!p0 $0xFFFFF086;
	s6 =	sadd.s32 @!p0 s3, s7;
	s7 =	simm.s32 @!p0 $0x108  }
0x21: {  	s3 =	sadd.s32 s3, s9;
	s6 =	sadd.s32 @!p0 $0x88, s6;
	s7 =	simm.s32 @p2 $0x1082  }
0x22: {  	[simem:s7], [sflag:s8] =	dma.local @!p0 [hbm:s6], $0xF7A  }
0x23: {  	s9 =	sor.u32 $0xD0000000, s2;
	s6 =	simm.s32 $0x108;
	_ =	swait.ge @!p0 [sflag:s8], $0x0  }
0x24: {  	s3 =	sadd.s32 $0x88, s3;
	s6 =	simm.s32 @!p1 $0x1082;
	[sflag:s4] =	ssyncset.s32 $0xFFFFF086  }
0x25: {  	[simem:s6], [sflag:s4] =	dma.local [hbm:s3], $0xF7A  }
0x26: {  	[smem:$0x3F9F] =	sst s1;
	(tag) =	ssettag s2;
	_ =	strace s9  }
0x27: {  	s1 =	sld [smem:$0x3FAF]  }
0x28: {  	s2 =	sld [smem:$0x3FB0]  }
0x29: {  	s4 =	sld [smem:$0x3FB2]  }
0x2a: {  	p0 =	seq.s32 s5, $0x0;
	s5 =	sld [smem:$0x3FB3]  }
0x2b: {  	s6 =	sld [smem:$0x3FB4]  }
0x2c: {  	s7 =	sld [smem:$0x3FB5]  }
0x2d: {  	s3 =	simm.s32 $0x108;
	s8 =	sld [smem:$0x3FB6]  }
0x2e: {  	s3 =	simm.s32 @!p0 $0x1082;
	s9 =	sld [smem:$0x3FB7]  }
0x2f: {  	lr =	sadd.s32 s0, s3;
	s0 =	sld [smem:$0x3FAE]  }
0x30: {  	s3 =	sld [smem:$0x3FB1]  }
0x31: {  	[smem:$0x3FBA] =	sst s10  }
0x32: {  	s10 =	sld [smem:$0x3FB8];
	_ =	sdelay $0x3  }
0x33: {  	p0 =	seq.s32 s10, $0x1;
	s10 =	sld [smem:$0x3FBA];
	_ =	sdelay $0x3  }
0x34: {  	[smem:$0x3FBA] =	sst s10  }
0x35: {  	s10 =	sld [smem:$0x3FB9];
	_ =	sdelay $0x3  }
0x36: {  	p1 =	seq.s32 s10, $0x1;
	s10 =	sld [smem:$0x3FBA];
	_ =	sdelay $0x3  }
0x37: {  	[smem:$0x3FBA] =	sst s10  }
0x38: {  	s10 =	sld [smem:$0x3FBB]  }
0x39: {  	_ = 	snop;
	(pc) =	sbr.ind lr, $3  }
0x3a: {  	_ = 	snop  }
0x3b: {  	_ = 	snop  }
0x3c: {  	p2 =	seq.s32 s10, $0x1;
	s10 =	sld [smem:$0x3FBA]  }
0x3d: {  	_ =	shalt  }
0x3e: {  	_ =	shalt  }
0x3f: {  	_ =	shalt  }
0x40: {  	_ =	shalt  }
0x41: {  	_ =	shalt  }
0x42: {  	_ =	shalt  }
0x43: {  	_ =	shalt  }
0x44: {  	_ =	shalt  }
0x45: {  	_ =	shalt  }
0x46: {  	_ =	shalt  }
0x47: {  	_ =	shalt  }
0x48: {  	_ =	shalt  }
0x49: {  	_ =	shalt  }
0x4a: {  	_ =	shalt  }
0x4b: {  	_ =	shalt  }
0x4c: {  	_ =	shalt  }
0x4d: {  	_ =	shalt  }
0x4e: {  	_ =	shalt  }
0x4f: {  	_ =	shalt  }
0x50: {  	_ =	shalt  }
0x51: {  	_ =	shalt  }
0x52: {  	_ =	shalt  }
0x53: {  	_ =	shalt  }
0x54: {  	_ =	shalt  }
0x55: {  	_ =	shalt  }
0x56: {  	_ =	shalt  }
0x57: {  	_ =	shalt  }
0x58: {  	_ =	shalt  }
0x59: {  	_ =	shalt  }
0x5a: {  	_ =	shalt  }
0x5b: {  	_ =	shalt  }
0x5c: {  	_ =	shalt  }
0x5d: {  	_ =	shalt  }
0x5e: {  	_ =	shalt  }
0x5f: {  	_ =	shalt  }
0x60: {  	_ =	shalt  }
0x61: {  	_ =	shalt  }
0x62: {  	_ =	shalt  }
0x63: {  	_ =	shalt  }
0x64: {  	_ =	shalt  }
0x65: {  	_ =	shalt  }
0x66: {  	_ =	shalt  }
0x67: {  	_ =	shalt  }
0x68: {  	_ =	shalt  }
0x69: {  	_ =	shalt  }
0x6a: {  	_ =	shalt  }
0x6b: {  	_ =	shalt  }
0x6c: {  	_ =	shalt  }
0x6d: {  	_ =	shalt  }
0x6e: {  	_ =	shalt  }
0x6f: {  	_ =	shalt  }
0x70: {  	_ =	shalt  }
0x71: {  	_ =	shalt  }
0x72: {  	_ =	shalt  }
0x73: {  	_ =	shalt  }
0x74: {  	_ =	shalt  }
0x75: {  	_ =	shalt  }
0x76: {  	_ =	shalt  }
0x77: {  	_ =	shalt  }
0x78: {  	_ =	shalt  }
0x79: {  	_ =	shalt  }
0x7a: {  	_ =	shalt  }
0x7b: {  	_ =	shalt  }
0x7c: {  	_ =	shalt  }
0x7d: {  	_ =	shalt  }
0x7e: {  	_ =	shalt  }
0x7f: {  	_ =	shalt  }
0x80: {  	_ =	shalt  }
0x81: {  	_ =	shalt  }
0x82: {  	_ =	shalt  }
0x83: {  	_ =	shalt  }
0x84: {  	_ =	shalt  }
0x85: {  	_ =	shalt  }
0x86: {  	_ =	shalt  }
0x87: {  	_ =	shalt  }
.Lfunc_end0:
.L_simem_size_0:
called_computation_lowered:
.L_overlay_start_0:
0x88: {  	s2 =	sld [smem:$0x3FD9]  }
0x89: {  	s3 =	sld [smem:$0x3FFE];
	_ =	sdelay $0x1  }
0x8a: {  	s1 =	srdreg.scid  }
0x8b: {  	s0 =	sand.u32 $0x1, s1  }
0x8c: {  	s18 =	sshll.u32 s0, $0xA;
	s2 =	sadd.s32 s3, s2  }
0x8d: {  	s2 =	sadd.s32 s2, s18  }
0x8e: {  	[smem:$0x3FC6] =	sst s2  }
0x8f: {  	_ = 	snop  }
0x90: {  	s2 =	sld [smem:$0x3FC9]  }
0x91: {  	s19 =	sld [smem:$0x3FC8]  }
0x92: {  	s4 =	sld [smem:$0x3FD0];
	(tm) =	ssettm $0x1  }
0x93: {  	s5 =	sld [smem:$0x3FFB];
	_ =	sdelay $0x3  }
0x94: {  	_ =	strace s5  }
0x95: {  	s5 =	sld [smem:$0x3FFC];
	_ =	sdelay $0x3  }
0x96: {  	_ =	strace s5  }
0x97: {  	s5 =	sld [smem:$0x3FFD];
	_ =	sdelay $0x3  }
0x98: {  	_ =	strace s5  }
0x99: {  	_ =	strace $0x8FFFFFFF  }
0x9a: {  	s20 =	sld [smem:$0x3FDB];
	_ =	sdelay $0x1  }
0x9b: {  	s6 =	simm.s32 $_scs_section_size  }
0x9c: {  	s7 =	simm.s32 $_size__tile_overlayer_lowered;
	s8 =	simm.s32 $_tile_overlayer_lowered  }
0x9d: {  	s23 =	simm.s32 $0x1BFF;
	s22 =	sshll.u32 s8, $0x1;
	s5 =	sadd.s32 s6, s20  }
0x9e: {  	s9 =	simm.s32 $0x0;
	s21 =	sshll.u32 s7, $0x1;
	s7 =	sadd.s32 s22, s5  }
0x9f: {  	[timem:s9], [sflag:s23] =	dma.local [hbm:s7], s21  }
0xa0: {  	_ =	swait.ge [sflag:s23], s21  }
0xa1: {  	s6 =	ssub.s32 $0x0, s21;
	[sflag:s23] =	ssyncset.done $0x0  }
0xa2: {  	[sflag:s23] =	ssyncadd.s32 s6;
	_ =	sdelay $0x1  }
0xa3: {  	s24 =	simm.s32 $0x1B8B  }
0xa4: {  	_ =	swait.ge [sflag:s24], $0x1  }
0xa5: {  	[sflag:s24] =	ssyncset.done $0x0  }
0xa6: {  	s25 =	simm.s32 $0x1B8E;
	[sflag:s24] =	ssyncadd.s32 $0xFFFFFFFF  }
0xa7: {  	s26 =	simm.s32 $execute0_lowered;
	[smem:$0x3FD2] =	sst s25  }
0xa8: {  	s6 =	sshll.u32 s26, $0x1;
	_ =	strace $0x80000046;
	[dreg:$0x1] =	wrdreg $0xFFFFFFFF  }
0xa9: {  	s28 =	simm.s32 $_size_execute0_lowered;
	s5 =	sadd.s32 s5, s6;
	[dreg:$0x0] =	wrdreg $0x0  }
0xaa: {  	s6 =	sshll.u32 s28, $0x1;
	[dreg:$0x2] =	wrdreg s5  }
0xab: {  	[dreg:$0x3] =	wrdreg s6  }
0xac: {  	[dreg:$0x4] =	wrdreg $0xC0  }
0xad: {  	_ =	task [dreg:s9], $0x5FFFF  }
0xae: {  	[dreg:$0x1] =	wrdreg $0xFFFFFFFF  }
0xaf: {  	[dreg:$0x0] =	wrdreg $0x60  }
0xb0: {  	[dreg:$0x2] =	wrdreg s2  }
0xb1: {  	[dreg:$0x3] =	wrdreg s19  }
0xb2: {  	[dreg:$0x4] =	wrdreg s4  }
0xb3: {  	[dreg:$0x5] =	wrdreg $0x9  }
0xb4: {  	_ =	task.clear_ibuf [dreg:s9], $0x6FFFF;
	_ =	strace $0x90000046  }
0xb5: {  	s29 =	simm.s32 $0x9;
	_ =	strace $0x80000048  }
0xb6: {  	_ =	swait.ge [sflag:s29], $0x1  }
0xb7: {  	[sflag:s29] =	ssyncadd.s32 $0xFFFFFFFF  }
0xb8: {  	_ =	strace $0x90000048  }
0xb9: {  	_ =	sfence  }
0xba: {  	s30 =	sld [smem:$0x0];
	_ =	sdelay $0x2  }
0xbb: {  	s31 =	sshll.u32 s1, $0xD;
	s1 =	sshrl.u32 s1, $0x2  }
0xbc: {  	s3 =	sand.u32 $0x4000, s31;
	s1 =	sadd.s32 s1, s30  }
0xbd: {  	s0 =	sor.u32 s3, s0;
	s1 =	sshll.u32 s1, $0x11  }
0xbe: {  	s0 =	sor.u32 s1, s0  }
0xbf: {  	s0 =	sadd.s32 $0x8F2B, s0  }
0xc0: {  	[sflag:s0] =	ssyncadd.remote.s32 $0x1  }
0xc1: {  	_ =	sfence.sel $0xFFFF  }
0xc2: {  	[dreg:$0x0] =	wrdreg $0xFFFFFFFF;
	(pc) =	sbr.abs _section_cstart, $3  }
0xc3: {  	[dreg:$0x1] =	wrdreg $0xFFFFFFFF  }
0xc4: {  	_ =	task.clear_ibuf [dreg:s9], $0x2FFFF;
	_ =	strace $0x9FFFFFFF  }
0xc5: {  	(tm) =	ssettm $0x7FFFFFFF  }
tec
execute0_lowered:
.L_overlay_start_1:
0x0: {  	(tag) =	ssettag $0x1  }
0x1: {  	v0 =	vimm.f32 $1.500000000e+01;
	vm0 =	vcmask $0x300  }
0x2: {  	vm14 =	vcmask $0x704;
	v0 =	vsel vm0, $0x0, v0  }
0x3: {  	vm15 =	vcmask $0xB08;
	v0 =	vsel vm14, $0x3F800000, v0  }
0x4: {  	vm4 =	vcmask $0xF0C;
	v0 =	vsel vm15, $0x40000000, v0  }
0x5: {  	s0 =	srdreg.scid;
	vm5 =	vcmask $0x1310;
	v0 =	vsel vm4, $0x40400000, v0  }
0x6: {  	s5 =	stileid.u32;
	s6 =	simm.s32 $0x0;
	s10 =	simm.s32 $0x20;
	vm6 =	vcmask $0x1714;
	v0 =	vsel vm5, $0x40800000, v0  }
0x7: {  	s11 =	simm.s32 $0x80;
	vm7 =	vcmask $0x1B18;
	s0 =	sand.u32 $0x1, s0;
	s1 =	sshll.u32 s5, $0x5;
	v0 =	vsel vm6, $0x40A00000, v0  }
0x8: {  	s12 =	simm.s32 $0x1;
	vm8 =	vcmask $0x1F1C;
	s2 =	sshll.u32 s0, $0x4;
	s1 =	sand.u32 $0x60, s1;
	v0 =	vsel vm7, $0x40C00000, v0  }
0x9: {  	s13 =	simm.s32 $0x10;
	vm9 =	vcmask $0x2320;
	s9 =	simm.s32 $0x12A00;
	s4 =	sor.u32 s2, s1;
	v0 =	vsel vm8, $0x40E00000, v0  }
0xa: {  	vm10 =	vcmask $0x2724;
	s17 =	simm.s32 $0x0;
	[smem:$0x7FF] =	sst s6;
	s1 =	smax.u32 s4, $0x8;
	v0 =	vsel vm9, $0x41000000, v0  }
0xb: {  	vm11 =	vcmask $0x2B28;
	s8 =	sshll.u32 s5, $0x2;
	s0 =	ssub.s32 $0x2, s0;
	s1 =	smin.u32 s1, $0x68;
	v0 =	vsel vm10, $0x41100000, v0  }
0xc: {  	vm12 =	vcmask $0x2F2C;
	s5 =	simm.s32 $0x12D00;
	s30 =	sshrl.u32 s0, $0x1;
	s7 =	sadd.s32 $0xFFFFFFF8, s1;
	v0 =	vsel vm11, $0x41200000, v0  }
0xd: {  	vm13 =	vcmask $0x3330;
	_ =	strace $0x80000047;
	s0 =	ssub.s32 s0, s30;
	s3 =	scvt.s32.f32 s7;
	v0 =	vsel vm12, $0x41300000, v0  }
0xe: {  	vm14 =	vcmask $0x3734;
	s2 =	simm.s32 $0x12800;
	s0 =	smax.u32 s0, $0x1;
	s31 =	ssub.s32 s4, s7;
	v0 =	vsel vm13, $0x41400000, v0  }
0xf: {  	vm15 =	vcmask $0x3B38;
	s16 =	ssub.s32 $0x87, s1;
	s14 =	scvt.s32.f32 s31;
	s15 =	ssub.f32 $1.270000000e+02, s3;
	v0 =	vsel vm14, $0x41500000, v0  }
0x10: {  	[dreg:$0x4] =	wrdreg s0;
	s0 =	simm.s32 $0x12900;
	s1 =	simm.s32 $0x12B00;
	v0 =	vsel vm15, $0x41600000, v0  }
0x11: {  	v2 =	vmov s16;
	s3 =	simm.s32 $0x12C00;
	v1 =	vmov s15;
	s15 =	simm.s32 $0x12F00;
	v0 =	vadd.f32 s14, v0;
	s14 =	simm.s32 $0x12E00  }
.LBB2_1:
0x12: {  	[dreg:$0x5] =	wrdreg s17;
	s16 =	simm.s32 $0x0  }
.LBB2_2:
0x13: {  	s17 =	sshll.u32 s16, $0x3;
	s18 =	sshll.u32 s16, $0x6  }
0x14: {  	s20 =	sand.u32 $0x70, s17;
	s24 =	sor.u32 s8, s18  }
0x15: {  	s21 =	sand.u32 $0x70, s24;
	s25 =	smax.u32 s20, $0x8  }
0x16: {  	s18 =	sshrl.u32 s16, $0x4;
	s22 =	smin.u32 s25, $0x68;
	s26 =	smax.u32 s21, $0x8  }
0x17: {  	s17 =	sshll.u32 s18, $0x16;
	s25 =	sadd.s32 $0xFFFFFFF8, s22;
	s24 =	smin.u32 s26, $0x68  }
0x18: {  	s23 =	sadd.s32 s7, s17;
	s26 =	sadd.s32 $0xFFFFFFF8, s24;
	s19 =	sshll.u32 s25, $0xE  }
0x19: {  	s28 =	sshll.u32 s26, $0x7;
	s19 =	sadd.s32 s19, s23  }
0x1a: {  	s19 =	sadd.s32 s28, s19  }
0x1b: {  	s31 =	rddreg [dreg:$0x0];
	s19 =	sshrl.u32 s19, $0x3  }
0x1c: {  	s29 =	simm.s32 $0x400;
	s19 =	sadd.s32 s31, s19  }
0x1d: {  	s23 =	simm.s32 $0x0;
	s28 =	simm.s32 $0x800;
	s30 =	sadd.s32 $0x0, s19  }
.LBB2_3:
0x1e: {  	[tilespmem:s23], [sflag:$0x1] =	stream.strided.gather [hbm4b:s30+s10], $0x400, s11, s10, $0x38;
	[tilespmem:$0x15000] =	vst v63  }
0x1f: {  	s30 =	smov.u32 s28;
	s23 =	smov.u32 s29;
	p0 =	sne.s32 s28, $0xF800  }
.Ltmp0:
0x20: {  	s28 =	sadd.s32 $0x800, s28;
	(pc) =	sbr.rel @p0 .LBB2_3-.Ltmp0, $2  }
0x21: {  	_ =	sdelay $0x2  }
0x22: {  	s29 =	sadd.s32 $0x400, s29;
	s30 =	sadd.s32 s30, s19  }
0x23: {  	[tilespmem:s23], [sflag:$0x1] =	stream.strided.gather [hbm4b:s30+s10], $0x400, s11, s10, $0x38;
	[tilespmem:$0x15000] =	vst v63  }
0x24: {  	s19 =	sadd.s32 $0x40000, s19;
	_ =	swait.ge [sflag:s12], $0x8000  }
0x25: {  	s23 =	simm.s32 $0x8000;
	s28 =	simm.s32 $0x800;
	[sflag:s12] =	ssyncset.done $0x0  }
0x26: {  	s29 =	simm.s32 $0x8400;
	s30 =	sadd.s32 $0x0, s19;
	[sflag:s12] =	ssyncadd.s32 $0xFFFF8000  }
.LBB2_5:
0x27: {  	[tilespmem:s23], [sflag:$0x1] =	stream.strided.gather [hbm4b:s30+s10], $0x400, s11, s10, $0x38;
	[tilespmem:$0x15000] =	vst v63  }
0x28: {  	s30 =	smov.u32 s28;
	s23 =	smov.u32 s29;
	p0 =	sne.s32 s28, $0xF800  }
.Ltmp1:
0x29: {  	s28 =	sadd.s32 $0x800, s28;
	(pc) =	sbr.rel @p0 .LBB2_5-.Ltmp1, $2  }
0x2a: {  	_ =	sdelay $0x2  }
0x2b: {  	s29 =	sadd.s32 $0x400, s29;
	s30 =	sadd.s32 s30, s19  }
0x2c: {  	[tilespmem:s23], [sflag:$0x1] =	stream.strided.gather [hbm4b:s30+s10], $0x400, s11, s10, $0x38;
	[tilespmem:$0x15000] =	vst v63  }
0x2d: {  	s19 =	smul.u32 $0x600000, s18  }
0x2e: {  	s18 =	sshll.u32 s20, $0xE  }
0x2f: {  	_ =	swait.ge [sflag:s12], $0x8000;
	s29 =	sor.u32 s19, s18;
	s19 =	sshll.u32 s21, $0x7  }
0x30: {  	[sflag:s12] =	ssyncset.done $0x0;
	s23 =	sor.u32 s19, s29  }
0x31: {  	[sflag:s12] =	ssyncadd.s32 $0xFFFF8000;
	s23 =	sor.u32 s4, s23  }
0x32: {  	s28 =	rddreg [dreg:$0x1];
	s23 =	sshrl.u32 s23, $0x3  }
0x33: {  	s30 =	simm.s32 $0x10000;
	s23 =	sadd.s32 s28, s23  }
0x34: {  	[tilespmem:s30], [sflag:$0x1] =	stream.strided.gather [hbm4b:s23+s13], $0x100, s11, s13, $0x38;
	[tilespmem:$0x15000] =	vst v63  }
0x35: {  	s29 =	simm.s32 $0x10100;
	s31 =	sadd.s32 $0x800, s23  }
0x36: {  	[tilespmem:s29], [sflag:$0x1] =	stream.strided.gather [hbm4b:s31+s13], $0x100, s11, s13, $0x38;
	[tilespmem:$0x15000] =	vst v63  }
0x37: {  	s30 =	sadd.s32 $0x1000, s23;
	s31 =	simm.s32 $0x10200  }
0x38: {  	[tilespmem:s31], [sflag:$0x1] =	stream.strided.gather [hbm4b:s30+s13], $0x100, s11, s13, $0x38;
	[tilespmem:$0x15000] =	vst v63  }
0x39: {  	s30 =	sadd.s32 $0x1800, s23;
	s31 =	simm.s32 $0x10300  }
0x3a: {  	[tilespmem:s31], [sflag:$0x1] =	stream.strided.gather [hbm4b:s30+s13], $0x100, s11, s13, $0x38;
	[tilespmem:$0x15000] =	vst v63  }
0x3b: {  	s30 =	sadd.s32 $0x2000, s23;
	s31 =	simm.s32 $0x10400  }
0x3c: {  	[tilespmem:s31], [sflag:$0x1] =	stream.strided.gather [hbm4b:s30+s13], $0x100, s11, s13, $0x38;
	[tilespmem:$0x15000] =	vst v63  }
0x3d: {  	s30 =	sadd.s32 $0x2800, s23;
	s31 =	simm.s32 $0x10500  }
0x3e: {  	[tilespmem:s31], [sflag:$0x1] =	stream.strided.gather [hbm4b:s30+s13], $0x100, s11, s13, $0x38;
	[tilespmem:$0x15000] =	vst v63  }
0x3f: {  	s30 =	sadd.s32 $0x3000, s23;
	s31 =	simm.s32 $0x10600  }
0x40: {  	[tilespmem:s31], [sflag:$0x1] =	stream.strided.gather [hbm4b:s30+s13], $0x100, s11, s13, $0x38;
	[tilespmem:$0x15000] =	vst v63  }
0x41: {  	s30 =	sadd.s32 $0x3800, s23;
	s31 =	simm.s32 $0x10700  }
0x42: {  	[tilespmem:s31], [sflag:$0x1] =	stream.strided.gather [hbm4b:s30+s13], $0x100, s11, s13, $0x38;
	[tilespmem:$0x15000] =	vst v63  }
0x43: {  	s30 =	sadd.s32 $0x4000, s23;
	s31 =	simm.s32 $0x10800  }
0x44: {  	[tilespmem:s31], [sflag:$0x1] =	stream.strided.gather [hbm4b:s30+s13], $0x100, s11, s13, $0x38;
	[tilespmem:$0x15000] =	vst v63  }
0x45: {  	s30 =	sadd.s32 $0x4800, s23;
	s31 =	simm.s32 $0x10900  }
0x46: {  	[tilespmem:s31], [sflag:$0x1] =	stream.strided.gather [hbm4b:s30+s13], $0x100, s11, s13, $0x38;
	[tilespmem:$0x15000] =	vst v63  }
0x47: {  	s30 =	sadd.s32 $0x5000, s23;
	s31 =	simm.s32 $0x10A00  }
0x48: {  	[tilespmem:s31], [sflag:$0x1] =	stream.strided.gather [hbm4b:s30+s13], $0x100, s11, s13, $0x38;
	[tilespmem:$0x15000] =	vst v63  }
0x49: {  	s30 =	sadd.s32 $0x5800, s23;
	s31 =	simm.s32 $0x10B00  }
0x4a: {  	[tilespmem:s31], [sflag:$0x1] =	stream.strided.gather [hbm4b:s30+s13], $0x100, s11, s13, $0x38;
	[tilespmem:$0x15000] =	vst v63  }
0x4b: {  	s30 =	sadd.s32 $0x6000, s23;
	s31 =	simm.s32 $0x10C00  }
0x4c: {  	[tilespmem:s31], [sflag:$0x1] =	stream.strided.gather [hbm4b:s30+s13], $0x100, s11, s13, $0x38;
	[tilespmem:$0x15000] =	vst v63  }
0x4d: {  	s30 =	sadd.s32 $0x6800, s23;
	s31 =	simm.s32 $0x10D00  }
0x4e: {  	[tilespmem:s31], [sflag:$0x1] =	stream.strided.gather [hbm4b:s30+s13], $0x100, s11, s13, $0x38;
	[tilespmem:$0x15000] =	vst v63  }
0x4f: {  	s30 =	sadd.s32 $0x7000, s23;
	s31 =	simm.s32 $0x10E00  }
0x50: {  	[tilespmem:s31], [sflag:$0x1] =	stream.strided.gather [hbm4b:s30+s13], $0x100, s11, s13, $0x38;
	[tilespmem:$0x15000] =	vst v63  }
0x51: {  	s30 =	sadd.s32 $0x7800, s23;
	s31 =	simm.s32 $0x10F00  }
0x52: {  	[tilespmem:s31], [sflag:$0x1] =	stream.strided.gather [hbm4b:s30+s13], $0x100, s11, s13, $0x38;
	[tilespmem:$0x15000] =	vst v63  }
0x53: {  	_ =	swait.ge [sflag:s12], $0x1000  }
0x54: {  	[sflag:s12] =	ssyncset.done $0x0  }
0x55: {  	s28 =	sadd.s32 $0x40000, s23;
	s30 =	simm.s32 $0x11000;
	[sflag:s12] =	ssyncadd.s32 $0xFFFFF000  }
0x56: {  	[tilespmem:s30], [sflag:$0x1] =	stream.strided.gather [hbm4b:s28+s13], $0x100, s11, s13, $0x38;
	[tilespmem:$0x15000] =	vst v63  }
0x57: {  	s29 =	sadd.s32 $0x800, s28;
	s31 =	simm.s32 $0x11100  }
0x58: {  	[tilespmem:s31], [sflag:$0x1] =	stream.strided.gather [hbm4b:s29+s13], $0x100, s11, s13, $0x38;
	[tilespmem:$0x15000] =	vst v63  }
0x59: {  	s29 =	sadd.s32 $0x1000, s28;
	s31 =	simm.s32 $0x11200  }
0x5a: {  	[tilespmem:s31], [sflag:$0x1] =	stream.strided.gather [hbm4b:s29+s13], $0x100, s11, s13, $0x38;
	[tilespmem:$0x15000] =	vst v63  }
0x5b: {  	s29 =	sadd.s32 $0x1800, s28;
	s31 =	simm.s32 $0x11300  }
0x5c: {  	[tilespmem:s31], [sflag:$0x1] =	stream.strided.gather [hbm4b:s29+s13], $0x100, s11, s13, $0x38;
	[tilespmem:$0x15000] =	vst v63  }
0x5d: {  	s29 =	sadd.s32 $0x2000, s28;
	s31 =	simm.s32 $0x11400  }
0x5e: {  	[tilespmem:s31], [sflag:$0x1] =	stream.strided.gather [hbm4b:s29+s13], $0x100, s11, s13, $0x38;
	[tilespmem:$0x15000] =	vst v63  }
0x5f: {  	s29 =	sadd.s32 $0x2800, s28;
	s31 =	simm.s32 $0x11500  }
0x60: {  	[tilespmem:s31], [sflag:$0x1] =	stream.strided.gather [hbm4b:s29+s13], $0x100, s11, s13, $0x38;
	[tilespmem:$0x15000] =	vst v63  }
0x61: {  	s29 =	sadd.s32 $0x3000, s28;
	s31 =	simm.s32 $0x11600  }
0x62: {  	[tilespmem:s31], [sflag:$0x1] =	stream.strided.gather [hbm4b:s29+s13], $0x100, s11, s13, $0x38;
	[tilespmem:$0x15000] =	vst v63  }
0x63: {  	s29 =	sadd.s32 $0x3800, s28;
	s31 =	simm.s32 $0x11700  }
0x64: {  	[tilespmem:s31], [sflag:$0x1] =	stream.strided.gather [hbm4b:s29+s13], $0x100, s11, s13, $0x38;
	[tilespmem:$0x15000] =	vst v63  }
0x65: {  	s29 =	sadd.s32 $0x4000, s28;
	s31 =	simm.s32 $0x11800  }
0x66: {  	[tilespmem:s31], [sflag:$0x1] =	stream.strided.gather [hbm4b:s29+s13], $0x100, s11, s13, $0x38;
	[tilespmem:$0x15000] =	vst v63  }
0x67: {  	s29 =	sadd.s32 $0x4800, s28;
	s31 =	simm.s32 $0x11900  }
0x68: {  	[tilespmem:s31], [sflag:$0x1] =	stream.strided.gather [hbm4b:s29+s13], $0x100, s11, s13, $0x38;
	[tilespmem:$0x15000] =	vst v63  }
0x69: {  	s29 =	sadd.s32 $0x5000, s28;
	s31 =	simm.s32 $0x11A00  }
0x6a: {  	[tilespmem:s31], [sflag:$0x1] =	stream.strided.gather [hbm4b:s29+s13], $0x100, s11, s13, $0x38;
	[tilespmem:$0x15000] =	vst v63  }
0x6b: {  	s29 =	sadd.s32 $0x5800, s28;
	s31 =	simm.s32 $0x11B00  }
0x6c: {  	[tilespmem:s31], [sflag:$0x1] =	stream.strided.gather [hbm4b:s29+s13], $0x100, s11, s13, $0x38;
	[tilespmem:$0x15000] =	vst v63  }
0x6d: {  	s29 =	sadd.s32 $0x6000, s28;
	s31 =	simm.s32 $0x11C00  }
0x6e: {  	[tilespmem:s31], [sflag:$0x1] =	stream.strided.gather [hbm4b:s29+s13], $0x100, s11, s13, $0x38;
	[tilespmem:$0x15000] =	vst v63  }
0x6f: {  	s29 =	sadd.s32 $0x6800, s28;
	s31 =	simm.s32 $0x11D00  }
0x70: {  	[tilespmem:s31], [sflag:$0x1] =	stream.strided.gather [hbm4b:s29+s13], $0x100, s11, s13, $0x38;
	[tilespmem:$0x15000] =	vst v63  }
0x71: {  	s29 =	sadd.s32 $0x7000, s28;
	s31 =	simm.s32 $0x11E00  }
0x72: {  	[tilespmem:s31], [sflag:$0x1] =	stream.strided.gather [hbm4b:s29+s13], $0x100, s11, s13, $0x38;
	[tilespmem:$0x15000] =	vst v63  }
0x73: {  	s28 =	sadd.s32 $0x7800, s28;
	s31 =	simm.s32 $0x11F00  }
0x74: {  	[tilespmem:s31], [sflag:$0x1] =	stream.strided.gather [hbm4b:s28+s13], $0x100, s11, s13, $0x38;
	[tilespmem:$0x15000] =	vst v63  }
0x75: {  	_ =	swait.ge [sflag:s12], $0x1000  }
0x76: {  	[sflag:s12] =	ssyncset.done $0x0  }
0x77: {  	s23 =	sadd.s32 $0x80000, s23;
	s30 =	simm.s32 $0x12000;
	[sflag:s12] =	ssyncadd.s32 $0xFFFFF000  }
0x78: {  	[tilespmem:s30], [sflag:$0x1] =	stream.strided.gather [hbm4b:s23+s13], $0x100, s11, s13, $0x38;
	[tilespmem:$0x15000] =	vst v63  }
0x79: {  	s31 =	sadd.s32 $0x800, s23;
	s30 =	simm.s32 $0x12100  }
0x7a: {  	[tilespmem:s30], [sflag:$0x1] =	stream.strided.gather [hbm4b:s31+s13], $0x100, s11, s13, $0x38;
	[tilespmem:$0x15000] =	vst v63  }
0x7b: {  	s31 =	sadd.s32 $0x1000, s23;
	s30 =	simm.s32 $0x12200  }
0x7c: {  	[tilespmem:s30], [sflag:$0x1] =	stream.strided.gather [hbm4b:s31+s13], $0x100, s11, s13, $0x38;
	[tilespmem:$0x15000] =	vst v63  }
0x7d: {  	s31 =	sadd.s32 $0x1800, s23;
	s30 =	simm.s32 $0x12300  }
0x7e: {  	[tilespmem:s30], [sflag:$0x1] =	stream.strided.gather [hbm4b:s31+s13], $0x100, s11, s13, $0x38;
	[tilespmem:$0x15000] =	vst v63  }
0x7f: {  	s31 =	sadd.s32 $0x2000, s23;
	s30 =	simm.s32 $0x12400  }
0x80: {  	[tilespmem:s30], [sflag:$0x1] =	stream.strided.gather [hbm4b:s31+s13], $0x100, s11, s13, $0x38;
	[tilespmem:$0x15000] =	vst v63  }
0x81: {  	s31 =	sadd.s32 $0x2800, s23;
	s30 =	simm.s32 $0x12500  }
0x82: {  	[tilespmem:s30], [sflag:$0x1] =	stream.strided.gather [hbm4b:s31+s13], $0x100, s11, s13, $0x38;
	[tilespmem:$0x15000] =	vst v63  }
0x83: {  	s31 =	sadd.s32 $0x3000, s23;
	s30 =	simm.s32 $0x12600  }
0x84: {  	[tilespmem:s30], [sflag:$0x1] =	stream.strided.gather [hbm4b:s31+s13], $0x100, s11, s13, $0x38;
	[tilespmem:$0x15000] =	vst v63  }
0x85: {  	s31 =	sadd.s32 $0x3800, s23;
	s30 =	simm.s32 $0x12700  }
0x86: {  	[tilespmem:s30], [sflag:$0x1] =	stream.strided.gather [hbm4b:s31+s13], $0x100, s11, s13, $0x38;
	[tilespmem:$0x15000] =	vst v63  }
0x87: {  	s31 =	sadd.s32 $0x4000, s23  }
0x88: {  	[tilespmem:s2], [sflag:$0x1] =	stream.strided.gather [hbm4b:s31+s13], $0x100, s11, s13, $0x38;
	[tilespmem:$0x15000] =	vst v63  }
0x89: {  	s29 =	sadd.s32 $0x4800, s23  }
0x8a: {  	[tilespmem:s0], [sflag:$0x1] =	stream.strided.gather [hbm4b:s29+s13], $0x100, s11, s13, $0x38;
	[tilespmem:$0x15000] =	vst v63  }
0x8b: {  	s30 =	sadd.s32 $0x5000, s23  }
0x8c: {  	[tilespmem:s9], [sflag:$0x1] =	stream.strided.gather [hbm4b:s30+s13], $0x100, s11, s13, $0x38;
	[tilespmem:$0x15000] =	vst v63  }
0x8d: {  	s31 =	sadd.s32 $0x5800, s23  }
0x8e: {  	[tilespmem:s1], [sflag:$0x1] =	stream.strided.gather [hbm4b:s31+s13], $0x100, s11, s13, $0x38;
	[tilespmem:$0x15000] =	vst v63  }
0x8f: {  	s29 =	sadd.s32 $0x6000, s23  }
0x90: {  	[tilespmem:s3], [sflag:$0x1] =	stream.strided.gather [hbm4b:s29+s13], $0x100, s11, s13, $0x38;
	[tilespmem:$0x15000] =	vst v63  }
0x91: {  	s30 =	sadd.s32 $0x6800, s23  }
0x92: {  	[tilespmem:s5], [sflag:$0x1] =	stream.strided.gather [hbm4b:s30+s13], $0x100, s11, s13, $0x38;
	[tilespmem:$0x15000] =	vst v63  }
0x93: {  	s31 =	sadd.s32 $0x7000, s23  }
0x94: {  	[tilespmem:s14], [sflag:$0x1] =	stream.strided.gather [hbm4b:s31+s13], $0x100, s11, s13, $0x38;
	[tilespmem:$0x15000] =	vst v63  }
0x95: {  	s23 =	sadd.s32 $0x7800, s23;
	s29 =	simm.s32 $0x0  }
0x96: {  	[tilespmem:s15], [sflag:$0x1] =	stream.strided.gather [hbm4b:s23+s13], $0x100, s11, s13, $0x38;
	[tilespmem:$0x15000] =	vst v63  }
0x97: {  	s28 =	sand.u32 $0xF, s29;
	_ =	swait.ge [sflag:s12], $0x1000  }
0x98: {  	s30 =	simm.s32 $0x0;
	s31 =	sshll.u32 s28, $0x4;
	[sflag:s12] =	ssyncset.done $0x0  }
0x99: {  	s23 =	sor.u32 s31, s30;
	[sflag:s12] =	ssyncadd.s32 $0xFFFFF000  }
0x9a: {  	v3 =	vld [tilespmem:s23+$0x11000]  }
0x9b: {  	v4 =	vld [tilespmem:s23+$0x12000]  }
0x9c: {  	v5 =	vld [tilespmem:s23+$0x10000]  }
0x9d: {  	s28 =	sor.u32 s21, s28;
	s30 =	simm.s32 $0x0  }
0x9e: {  	s28 =	scvt.s32.f32 s28;
	s29 =	sor.u32 s20, s30  }
0x9f: {  	s31 =	scvt.s32.f32 s29  }
0xa0: {  	s26 =	scvt.s32.f32 s26;
	v3 =	vadd.f32 s28, v3;
	v4 =	vadd.f32 v4, v0  }
0xa1: {  	s25 =	scvt.s32.f32 s25;
	v5 =	vadd.f32 s31, v5  }
0xa2: {  	v6 =	vmax.f32 v3, $0.0e+00;
	v3 =	vmov s26;
	v7 =	vmax.f32 v4, $0.0e+00  }
0xa3: {  	v5 =	vmax.f32 v5, $0.0e+00;
	v4 =	vmov s25;
	v6 =	vmin.f32 v6, $1.270000000e+02  }
0xa4: {  	v9 =	vmin.f32 v7, v1;
	v5 =	vmin.f32 v5, $1.270000000e+02;
	v8 =	vsub.f32 v6, v3  }
0xa5: {  	v6 =	vtrunc.f32 v9;
	v10 =	vsub.f32 v5, v4  }
0xa6: {  	s24 =	ssub.s32 $0x87, s24;
	v5 =	vcvt.f32.s32 v6;
	v7 =	vtrunc.f32 v8  }
0xa7: {  	v6 =	vmov s24;
	v11 =	vcvt.f32.s32 v7;
	v7 =	vtrunc.f32 v10  }
0xa8: {  	s22 =	ssub.s32 $0x87, s22;
	v12 =	vadd.s32 $0x1, v5;
	v17 =	vand.u32 $0xFFFFFFF8, v5;
	v23 =	vand.u32 $0x7, v5  }
0xa9: {  	v13 =	vcvt.f32.s32 v7;
	v7 =	vmov s22;
	vm1 =	vlt.s32 v12, v2  }
0xaa: {  	v14 =	vadd.s32 $0x1, v11;
	v5 =	vsel vm1, v12, v2;
	v11 =	vshll.u32 v11, $0x5  }
0xab: {  	vm0 =	vlt.s32 v14, v6;
	v15 =	vadd.s32 $0x1, v13;
	v12 =	vshll.u32 v13, $0xA  }
0xac: {  	v13 =	vcvt.s32.f32 v5;
	v21 =	vand.u32 $0xFFFFFFF8, v5;
	v5 =	vand.u32 $0x7, v5  }
0xad: {  	v14 =	vsel vm0, v14, v6;
	vm12 =	vlt.s32 v15, v7;
	v18 =	vadd.s32 v12, v11  }
0xae: {  	v20 =	vshll.u32 v14, $0x5;
	v9 =	vsub.f32 v13, v9;
	v13 =	vsel vm12, v15, v7  }
0xaf: {  	s26 =	simm.s32 $0x1;
	v22 =	vadd.s32 v18, v21;
	v14 =	vcvt.s32.f32 v14;
	v16 =	vadd.s32 v12, v20  }
0xb0: {  	s28 =	sand.u32 $0xF, s26;
	v19 =	vshll.u32 v13, $0xA;
	v36 =	vor.u32 v5, v22;
	v12 =	vadd.s32 $0x8000, v12  }
0xb1: {  	s29 =	simm.s32 $0x0;
	s30 =	sshll.u32 s28, $0x4;
	v15 =	vadd.s32 v21, v16;
	v25 =	vadd.s32 v19, v20;
	v41 =	vmax.f32 v9, $0.0e+00  }
0xb2: {  	s22 =	sor.u32 s30, s29;
	v9 =	vadd.s32 $0x8000, v19;
	v8 =	vsub.f32 v14, v8;
	v32 =	vor.u32 v5, v15  }
0xb3: {  	v22 =	vld [tilespmem:s22+$0x11000];
	v15 =	vadd.s32 v17, v16;
	v16 =	vadd.s32 v11, v19;
	v14 =	vadd.s32 v11, v9  }
0xb4: {  	v26 =	vadd.s32 v20, v9;
	v24 =	vadd.s32 v17, v16;
	v16 =	vadd.s32 v21, v16  }
0xb5: {  	s24 =	sor.u32 s21, s28;
	v35 =	vor.u32 v23, v15;
	v15 =	vadd.s32 v17, v18;
	v18 =	vadd.s32 v21, v25  }
0xb6: {  	s24 =	scvt.s32.f32 s24;
	v19 =	vmax.f32 v8, $0.0e+00;
	v37 =	vor.u32 v23, v15;
	v15 =	vcvt.s32.f32 v13  }
0xb7: {  	v27 =	vld [tilespmem:s22+$0x10000];
	v38 =	vor.u32 v23, v24;
	v33 =	vor.u32 v5, v16;
	v16 =	vadd.s32 v17, v25  }
0xb8: {  	v13 =	vor.u32 v5, v18;
	v25 =	vld [tilespmem:s22+$0x12000];
	v22 =	vadd.f32 s24, v22;
	v10 =	vsub.f32 v15, v10  }
0xb9: {  	s31 =	simm.s32 $0x0;
	v24 =	vadd.s32 v21, v14;
	v16 =	vor.u32 v23, v16;
	v15 =	vadd.s32 v17, v14  }
0xba: {  	s24 =	sor.u32 s20, s31;
	v8 =	vor.u32 v23, v15;
	v22 =	vmax.f32 v22, $0.0e+00;
	v9 =	vmax.f32 v10, $0.0e+00  }
0xbb: {  	s24 =	scvt.s32.f32 s24;
	v10 =	vadd.s32 v17, v26;
	v22 =	vmin.f32 v22, $1.270000000e+02;
	v18 =	vmin.f32 v9, $1.000000000e+00  }
0xbc: {  	v9 =	vor.u32 v5, v24;
	v24 =	vadd.s32 v11, v12;
	v11 =	vadd.s32 v21, v26  }
0xbd: {  	v10 =	vor.u32 v23, v10;
	v25 =	vadd.f32 v25, v0;
	v26 =	vadd.f32 s24, v27  }
0xbe: {  	v12 =	vadd.s32 v12, v20;
	v42 =	vsub.f32 v22, v3;
	v14 =	vsub.f32 $1.000000000e+00, v18  }
0xbf: {  	v15 =	vadd.s32 v17, v24;
	v24 =	vadd.s32 v24, v21;
	v20 =	vadd.s32 v21, v12  }
0xc0: {  	v12 =	vadd.s32 v17, v12;
	v21 =	vmax.f32 v25, $0.0e+00;
	v22 =	vmax.f32 v26, $0.0e+00  }
0xc1: {  	v15 =	vor.u32 v23, v15;
	v25 =	vmin.f32 v21, v1;
	v21 =	vmin.f32 v22, $1.270000000e+02  }
0xc2: {  	v22 =	vtrunc.f32 v42;
	v26 =	vtrunc.f32 v25;
	v43 =	vsub.f32 v21, v4  }
0xc3: {  	v27 =	vcvt.f32.s32 v22;
	v21 =	vor.u32 v5, v20;
	v20 =	vcvt.f32.s32 v26  }
0xc4: {  	v22 =	vor.u32 v5, v24;
	v24 =	vor.u32 v23, v12;
	v17 =	vtrunc.f32 v43  }
0xc5: {  	v26 =	vadd.s32 $0x1, v27;
	v34 =	vshll.u32 v27, $0x5;
	v28 =	vadd.s32 $0x1, v20  }
0xc6: {  	v29 =	vcvt.f32.s32 v17;
	vm13 =	vlt.s32 v26, v6;
	v17 =	vand.u32 $0xFFFFFFF8, v20  }
0xc7: {  	v20 =	vand.u32 $0x7, v20;
	vm14 =	vlt.s32 v28, v2;
	v39 =	vsel vm13, v26, v6  }
0xc8: {  	v23 =	vadd.s32 $0x1, v29;
	v31 =	vshll.u32 v39, $0x5;
	v12 =	vsel vm14, v28, v2  }
0xc9: {  	v46 =	vshll.u32 v29, $0xA;
	v59 =	vcvt.s32.f32 v39;
	v26 =	vcvt.s32.f32 v12  }
0xca: {  	v30 =	vand.u32 $0xFFFFFFF8, v12;
	v12 =	vand.u32 $0x7, v12;
	v28 =	vadd.s32 v46, v31  }
0xcb: {  	vm15 =	vlt.s32 v23, v7;
	v40 =	vadd.s32 v46, v34;
	v39 =	vadd.s32 $0x8000, v46  }
0xcc: {  	v47 =	vsel vm15, v23, v7;
	v42 =	vsub.f32 v59, v42;
	v45 =	vsub.f32 v26, v25  }
0xcd: {  	v25 =	vadd.s32 v30, v28;
	v48 =	vshll.u32 v47, $0xA;
	v28 =	vadd.s32 v17, v28  }
0xce: {  	v47 =	vcvt.s32.f32 v47;
	v27 =	vor.u32 v12, v25;
	v25 =	vadd.s32 v40, v30  }
0xcf: {  	v23 =	vadd.s32 v34, v48;
	v44 =	vadd.s32 v48, v31;
	v60 =	vadd.s32 $0x8000, v48  }
0xd0: {  	v46 =	vmax.f32 v42, $0.0e+00;
	v26 =	vadd.s32 v17, v23;
	v29 =	vadd.s32 v30, v23  }
0xd1: {  	v25 =	vor.u32 v12, v25;
	v49 =	vadd.s32 v17, v44;
	v44 =	vadd.s32 v30, v44  }
0xd2: {  	v45 =	vmax.f32 v45, $0.0e+00;
	v61 =	vsub.f32 v47, v43;
	v62 =	vadd.s32 v34, v60  }
0xd3: {  	v51 =	vld.idx.msk [tilespmem:v33+s6+$0x0], $0xffff;
	v43 =	vadd.s32 v31, v60;
	v23 =	vor.u32 v20, v26;
	v26 =	vor.u32 v12, v29  }
0xd4: {  	v52 =	vld.idx.msk [tilespmem:v37+s6+$0x0], $0xffff;
	v29 =	vor.u32 v20, v28;
	v28 =	vadd.s32 v17, v40;
	v40 =	vor.u32 v20, v49  }
0xd5: {  	v48 =	vld.idx.msk [tilespmem:v32+s6+$0x0], $0xffff;
	v44 =	vor.u32 v12, v44;
	v63 =	vadd.s32 v17, v62;
	v50 =	vadd.s32 v30, v62  }
0xd6: {  	v49 =	vld.idx.msk [tilespmem:v35+s6+$0x0], $0xffff;
	v35 =	vmin.f32 v41, $1.000000000e+00;
	v37 =	vadd.s32 v30, v43;
	v33 =	vmax.f32 v61, $0.0e+00  }
0xd7: {  	v47 =	vld.idx.msk [tilespmem:v36+s6+$0x0], $0xffff;
	v28 =	vor.u32 v20, v28;
	v36 =	vsub.f32 $1.000000000e+00, v35;
	v42 =	vmin.f32 v33, $1.000000000e+00  }
0xd8: {  	s26 =	simm.s32 $0x2;
	v32 =	vor.u32 v12, v50;
	v50 =	vld.idx.msk [tilespmem:v38+s6+$0x0], $0xffff;
	v33 =	vor.u32 v20, v63;
	v41 =	vsub.f32 $1.000000000e+00, v42  }
.LBB2_7:
0xd9: {  	v34 =	vadd.s32 v34, v39;
	s24 =	smov.u32 s26  }
0xda: {  	s25 =	sshrl.u32 s26, $0x4;
	s28 =	sand.u32 $0xF, s26;
	v43 =	vadd.s32 v17, v43;
	v53 =	vld.idx.msk [tilespmem:v13+s6+$0x0], $0xffff;
	v51 =	vmul.f32 v36, v51;
	v13 =	vmovc v44;
	v38 =	vmov v45;
	s24 =	sadd.s32 $0x1, s26  }
0xdb: {  	v48 =	vmul.f32 v36, v48;
	s29 =	sshll.u32 s25, $0x8;
	s30 =	sshll.u32 s28, $0x4;
	s31 =	sor.u32 s20, s25;
	v44 =	vadd.s32 v17, v34;
	v43 =	vor.u32 v20, v43;
	v45 =	vld.idx.msk [tilespmem:v16+s6+$0x0], $0xffff  }
0xdc: {  	p0 =	sne.s32 s26, $0xFF;
	v54 =	vmin.f32 v19, $1.000000000e+00;
	v19 =	vmovc v46;
	s28 =	sor.u32 s21, s28;
	v49 =	vmul.f32 v35, v49;
	s25 =	sor.u32 s30, s29;
	v44 =	vor.u32 v20, v44;
	v16 =	vmovc v40  }
0xdd: {  	v31 =	vadd.s32 v39, v31;
	v34 =	vadd.s32 v34, v30;
	v40 =	vsub.f32 $1.000000000e+00, v54  }
0xde: {  	v47 =	vmul.f32 v36, v47;
	v52 =	vmul.f32 v35, v52;
	v48 =	vadd.f32 v48, v49;
	v46 =	vld [tilespmem:s25+$0x12000]  }
0xdf: {  	v39 =	vmul.f32 v54, v14;
	v34 =	vor.u32 v12, v34;
	v55 =	vmul.f32 v40, v18;
	v49 =	vld [tilespmem:s25+$0x11000]  }
0xe0: {  	s26 =	scvt.s32.f32 s31;
	v54 =	vmul.f32 v54, v18;
	v50 =	vmul.f32 v35, v50;
	v18 =	vmovc v42;
	v47 =	vadd.f32 v47, v52  }
0xe1: {  	v30 =	vadd.s32 v30, v31;
	v42 =	vmul.f32 v35, v45;
	v45 =	vmul.f32 v36, v53  }
0xe2: {  	s28 =	scvt.s32.f32 s28;
	v48 =	vmul.f32 v48, v55;
	v50 =	vadd.f32 v51, v50;
	v47 =	vmul.f32 v47, v54;
	v52 =	vld [tilespmem:s25+$0x10000]  }
0xe3: {  	v30 =	vor.u32 v12, v30;
	v40 =	vmul.f32 v40, v14;
	v14 =	vmovc v41;
	v42 =	vadd.f32 v45, v42  }
0xe4: {  	v45 =	vadd.f32 v48, v47;
	v47 =	vmul.f32 v50, v39;
	v41 =	vadd.f32 s28, v49  }
0xe5: {  	v17 =	vadd.s32 v17, v31;
	v46 =	vadd.f32 v46, v0  }
0xe6: {  	v17 =	vor.u32 v20, v17;
	v20 =	vadd.f32 v45, v47;
	v31 =	vmul.f32 v42, v40  }
0xe7: {  	v41 =	vmax.f32 v41, $0.0e+00;
	v42 =	vadd.f32 s26, v52  }
0xe8: {  	v45 =	vmax.f32 v46, $0.0e+00;
	v20 =	vadd.f32 v20, v31;
	v41 =	vmin.f32 v41, $1.270000000e+02  }
0xe9: {  	v45 =	vmin.f32 v45, v1;
	v41 =	vsub.f32 v41, v3  }
0xea: {  	v31 =	vmax.f32 v42, $0.0e+00;
	v42 =	vtrunc.f32 v45;
	[tilespmem:s23+$0x13000] =	vst v20  }
0xeb: {  	v20 =	vmin.f32 v31, $1.270000000e+02;
	v31 =	vtrunc.f32 v41;
	v46 =	vld.idx.msk [tilespmem:v15+s6+$0x0], $0xffff;
	v15 =	vmov v44  }
0xec: {  	v47 =	vsub.f32 v20, v4;
	v20 =	vcvt.f32.s32 v42;
	v44 =	vor.u32 v5, v11;
	v42 =	vld.idx.msk [tilespmem:v22+s6+$0x0], $0xffff;
	v22 =	vmovc v34  }
0xed: {  	v5 =	vmovc v12;
	v11 =	vmov v37;
	v34 =	vcvt.f32.s32 v31;
	v48 =	vld.idx.msk [tilespmem:v21+s6+$0x0], $0xffff;
	v21 =	vmov v30  }
0xee: {  	v12 =	vtrunc.f32 v47;
	v30 =	vadd.s32 $0x1, v20  }
0xef: {  	v12 =	vcvt.f32.s32 v12;
	v31 =	vadd.s32 $0x1, v34;
	v37 =	vld.idx.msk [tilespmem:v8+s6+$0x0], $0xffff;
	v8 =	vmov v33  }
0xf0: {  	vm1 =	vlt.s32 v30, v2;
	vm0 =	vlt.s32 v31, v6;
	v33 =	vld.idx.msk [tilespmem:v24+s6+$0x0], $0xffff;
	v24 =	vmov v17  }
0xf1: {  	v49 =	vsel vm0, v31, v6;
	v17 =	vand.u32 $0xFFFFFFF8, v20;
	v46 =	vmul.f32 v35, v46;
	v44 =	vld.idx.msk [tilespmem:v44+s6+$0x0], $0xffff  }
0xf2: {  	v50 =	vadd.s32 $0x1, v12;
	v31 =	vshll.u32 v49, $0x5;
	v42 =	vmul.f32 v36, v42;
	v51 =	vld.idx.msk [tilespmem:v9+s6+$0x0], $0xffff;
	v9 =	vmovc v32  }
0xf3: {  	v20 =	vand.u32 $0x7, v20;
	v32 =	vshll.u32 v12, $0xA;
	v48 =	vmul.f32 v48, v36;
	v52 =	vld.idx.msk [tilespmem:v10+s6+$0x0], $0xffff;
	v10 =	vmovc v43  }
0xf4: {  	v34 =	vshll.u32 v34, $0x5;
	v12 =	vsel vm1, v30, v2;
	v42 =	vadd.f32 v42, v46  }
0xf5: {  	v43 =	vcvt.s32.f32 v12;
	v30 =	vand.u32 $0xFFFFFFF8, v12;
	v37 =	vmul.f32 v37, v35  }
0xf6: {  	v12 =	vand.u32 $0x7, v12;
	v46 =	vadd.s32 v32, v31;
	v42 =	vmul.f32 v42, v54  }
0xf7: {  	v43 =	vsub.f32 v43, v45;
	v45 =	vadd.s32 v30, v46;
	v33 =	vmul.f32 v33, v35  }
0xf8: {  	v53 =	vadd.s32 v32, v34;
	v54 =	vor.u32 v12, v45;
	v45 =	vmul.f32 v51, v36  }
0xf9: {  	v33 =	vadd.f32 v48, v33;
	v36 =	vmul.f32 v44, v36;
	v35 =	vmul.f32 v52, v35  }
0xfa: {  	vm0 =	vlt.s32 v50, v7;
	v44 =	vadd.s32 v17, v46;
	v37 =	vadd.f32 v45, v37  }
0xfb: {  	v45 =	vsel vm0, v50, v7;
	v33 =	vmul.f32 v33, v55;
	v35 =	vadd.f32 v36, v35  }
0xfc: {  	v36 =	vadd.s32 v53, v30;
	v46 =	vshll.u32 v45, $0xA;
	v37 =	vmul.f32 v37, v39  }
0xfd: {  	v39 =	vadd.s32 v34, v46;
	v48 =	vadd.s32 v46, v31;
	v33 =	vadd.f32 v33, v42  }
0xfe: {  	v42 =	vadd.s32 v17, v39;
	v39 =	vadd.s32 v30, v39;
	v35 =	vmul.f32 v35, v40  }
0xff: {  	v55 =	vor.u32 v20, v42;
	v42 =	vor.u32 v12, v39;
	v33 =	vadd.f32 v37, v33  }
0x100: {  	v36 =	vor.u32 v12, v36;
	v37 =	vor.u32 v20, v44;
	v39 =	vadd.s32 v17, v48  }
0x101: {  	v40 =	vadd.s32 v17, v53;
	v44 =	vadd.s32 v30, v48;
	v33 =	vadd.f32 v35, v33  }
0x102: {  	v50 =	vor.u32 v20, v40;
	v40 =	vor.u32 v20, v39;
	v44 =	vor.u32 v12, v44  }
0x103: {  	v48 =	vcvt.s32.f32 v49;
	v35 =	vcvt.s32.f32 v45;
	v45 =	vmax.f32 v43, $0.0e+00;
	[tilespmem:s23+$0x14000] =	vst v33;
	s23 =	smov.u32 s22;
	s22 =	smov.u32 s25  }
0x104: {  	v39 =	vadd.s32 $0x8000, v32;
	v32 =	vadd.s32 $0x8000, v46;
	v51 =	vld.idx.msk [tilespmem:v26+s6+$0x0], $0xffff;
	v26 =	vmov v42  }
.Ltmp2:
0x105: {  	v33 =	vsub.f32 v35, v47;
	v35 =	vsub.f32 v48, v41;
	v41 =	vadd.s32 v34, v32;
	v48 =	vld.idx.msk [tilespmem:v27+s6+$0x0], $0xffff;
	(pc) =	sbr.rel @p0 .LBB2_7-.Ltmp2, $4  }
0x106: {  	v43 =	vadd.s32 v31, v32;
	v52 =	vadd.s32 v17, v41;
	v53 =	vadd.s32 v30, v41;
	v49 =	vld.idx.msk [tilespmem:v29+s6+$0x0], $0xffff  }
0x107: {  	v32 =	vmax.f32 v33, $0.0e+00;
	v46 =	vmax.f32 v35, $0.0e+00;
	v35 =	vmin.f32 v38, $1.000000000e+00;
	v27 =	vmovc v54;
	v47 =	vld.idx.msk [tilespmem:v25+s6+$0x0], $0xffff;
	v25 =	vmovc v36  }
0x108: {  	v33 =	vor.u32 v20, v52;
	v42 =	vmin.f32 v32, $1.000000000e+00;
	v29 =	vmovc v37;
	v36 =	vsub.f32 $1.000000000e+00, v35;
	v52 =	vld.idx.msk [tilespmem:v28+s6+$0x0], $0xffff;
	v28 =	vmovc v50  }
0x109: {  	s26 =	smov.u32 s24;
	v32 =	vor.u32 v12, v53;
	v37 =	vadd.s32 v30, v43;
	v41 =	vsub.f32 $1.000000000e+00, v42;
	v50 =	vld.idx.msk [tilespmem:v23+s6+$0x0], $0xffff;
	v23 =	vmovc v55  }
0x10a: {  	_ =	sdelay $0x3  }
0x10b: {  	v3 =	vld.idx.msk [tilespmem:v13+s6+$0x0], $0xffff  }
0x10c: {  	v4 =	vmul.f32 v36, v51;
	v6 =	vld.idx.msk [tilespmem:v16+s6+$0x0], $0xffff  }
0x10d: {  	v7 =	vmin.f32 v19, $1.000000000e+00;
	v55 =	vmul.f32 v36, v48;
	v56 =	vmul.f32 v35, v49  }
0x10e: {  	v19 =	vsub.f32 $1.000000000e+00, v7;
	v47 =	vmul.f32 v36, v47;
	v38 =	vmul.f32 v35, v52  }
0x10f: {  	v58 =	vmul.f32 v7, v14;
	v7 =	vmul.f32 v7, v18;
	v13 =	vadd.f32 v55, v56  }
0x110: {  	v57 =	vmul.f32 v19, v18;
	v60 =	vmul.f32 v35, v50;
	v59 =	vadd.f32 v47, v38  }
0x111: {  	v6 =	vmul.f32 v35, v6;
	v3 =	vmul.f32 v36, v3  }
0x112: {  	v13 =	vmul.f32 v13, v57;
	v4 =	vadd.f32 v4, v60;
	v18 =	vmul.f32 v59, v7  }
0x113: {  	v61 =	vmul.f32 v19, v14  }
0x114: {  	v3 =	vadd.f32 v3, v6;
	v4 =	vmul.f32 v4, v58;
	v62 =	vadd.f32 v13, v18;
	_ =	sdelay $0x1  }
0x115: {  	v3 =	vmul.f32 v3, v61;
	v4 =	vadd.f32 v62, v4;
	_ =	sdelay $0x1  }
0x116: {  	v3 =	vadd.f32 v4, v3;
	_ =	sdelay $0x1  }
0x117: {  	[tilespmem:s23+$0x13000] =	vst v3  }
0x118: {  	v3 =	vld.idx.msk [tilespmem:v15+s6+$0x0], $0xffff  }
0x119: {  	v63 =	vld.idx.msk [tilespmem:v22+s6+$0x0], $0xffff  }
0x11a: {  	v5 =	vor.u32 v5, v11;
	v13 =	vld.idx.msk [tilespmem:v21+s6+$0x0], $0xffff  }
0x11b: {  	v15 =	vld.idx.msk [tilespmem:v24+s6+$0x0], $0xffff  }
0x11c: {  	v8 =	vld.idx.msk [tilespmem:v8+s6+$0x0], $0xffff  }
0x11d: {  	v9 =	vld.idx.msk [tilespmem:v9+s6+$0x0], $0xffff  }
0x11e: {  	v10 =	vld.idx.msk [tilespmem:v10+s6+$0x0], $0xffff  }
0x11f: {  	v5 =	vld.idx.msk [tilespmem:v5+s6+$0x0], $0xffff  }
0x120: {  	v3 =	vmul.f32 v35, v3;
	v4 =	vmul.f32 v36, v63  }
0x121: {  	v6 =	vmul.f32 v13, v36;
	v11 =	vmul.f32 v15, v35  }
0x122: {  	v18 =	vmul.f32 v8, v35  }
0x123: {  	v19 =	vmul.f32 v9, v36;
	v3 =	vadd.f32 v4, v3;
	v6 =	vadd.f32 v6, v11  }
0x124: {  	v21 =	vmul.f32 v10, v35;
	v5 =	vmul.f32 v5, v36  }
0x125: {  	v4 =	vadd.f32 v19, v18;
	v3 =	vmul.f32 v3, v7;
	v6 =	vmul.f32 v6, v57;
	_ =	sdelay $0x1  }
0x126: {  	v5 =	vadd.f32 v5, v21;
	v4 =	vmul.f32 v4, v58;
	v3 =	vadd.f32 v6, v3;
	_ =	sdelay $0x1  }
0x127: {  	v5 =	vmul.f32 v5, v61;
	v3 =	vadd.f32 v4, v3;
	_ =	sdelay $0x1  }
0x128: {  	v3 =	vadd.f32 v5, v3;
	_ =	sdelay $0x1  }
0x129: {  	[tilespmem:s23+$0x14000] =	vst v3  }
0x12a: {  	v3 =	vld.idx.msk [tilespmem:v26+s6+$0x0], $0xffff  }
0x12b: {  	v22 =	vld.idx.msk [tilespmem:v27+s6+$0x0], $0xffff  }
0x12c: {  	v24 =	vld.idx.msk [tilespmem:v29+s6+$0x0], $0xffff  }
0x12d: {  	v26 =	vld.idx.msk [tilespmem:v25+s6+$0x0], $0xffff  }
0x12e: {  	v29 =	vld.idx.msk [tilespmem:v28+s6+$0x0], $0xffff  }
0x12f: {  	v27 =	vmin.f32 v45, $1.000000000e+00;
	v36 =	vld.idx.msk [tilespmem:v23+s6+$0x0], $0xffff  }
0x130: {  	v38 =	vld.idx.msk [tilespmem:v44+s6+$0x0], $0xffff;
	v44 =	vmin.f32 v46, $1.000000000e+00;
	v35 =	vsub.f32 $1.000000000e+00, v27  }
0x131: {  	v40 =	vld.idx.msk [tilespmem:v40+s6+$0x0], $0xffff;
	v47 =	vmul.f32 v44, v41;
	v14 =	vmul.f32 v44, v42  }
0x132: {  	v45 =	vsub.f32 $1.000000000e+00, v44;
	v4 =	vmul.f32 v35, v22;
	v5 =	vmul.f32 v27, v24  }
0x133: {  	v8 =	vmul.f32 v27, v29;
	v6 =	vmul.f32 v35, v26  }
0x134: {  	v46 =	vmul.f32 v45, v42;
	v3 =	vmul.f32 v35, v3  }
0x135: {  	v48 =	vmul.f32 v27, v36;
	v4 =	vadd.f32 v4, v5;
	v6 =	vadd.f32 v6, v8  }
0x136: {  	v13 =	vmul.f32 v27, v40;
	v11 =	vmul.f32 v35, v38  }
0x137: {  	v3 =	vadd.f32 v3, v48;
	v6 =	vmul.f32 v6, v14;
	v4 =	vmul.f32 v4, v46  }
0x138: {  	v49 =	vadd.s32 v34, v39;
	v15 =	vmul.f32 v45, v41  }
0x139: {  	v11 =	vadd.f32 v11, v13;
	v3 =	vmul.f32 v3, v47;
	v4 =	vadd.f32 v4, v6  }
0x13a: {  	v53 =	vadd.s32 v39, v31;
	v52 =	vadd.s32 v49, v30;
	v50 =	vadd.s32 v17, v49  }
0x13b: {  	v51 =	vor.u32 v20, v50;
	v54 =	vmul.f32 v11, v15;
	v3 =	vadd.f32 v4, v3  }
0x13c: {  	v55 =	vadd.s32 v30, v53;
	v8 =	vor.u32 v12, v52  }
0x13d: {  	v10 =	vadd.s32 v17, v53;
	v11 =	vor.u32 v12, v55;
	v3 =	vadd.f32 v3, v54  }
0x13e: {  	v56 =	vor.u32 v20, v10  }
0x13f: {  	[tilespmem:s22+$0x13000] =	vst v3  }
0x140: {  	v6 =	vld.idx.msk [tilespmem:v51+s6+$0x0], $0xffff  }
0x141: {  	v57 =	vor.u32 v12, v37;
	v3 =	vadd.s32 v17, v43;
	v8 =	vld.idx.msk [tilespmem:v8+s6+$0x0], $0xffff  }
0x142: {  	v3 =	vor.u32 v20, v3;
	v11 =	vld.idx.msk [tilespmem:v11+s6+$0x0], $0xffff  }
0x143: {  	v4 =	vld.idx.msk [tilespmem:v56+s6+$0x0], $0xffff  }
0x144: {  	v58 =	vld.idx.msk [tilespmem:v33+s6+$0x0], $0xffff  }
0x145: {  	v59 =	vld.idx.msk [tilespmem:v32+s6+$0x0], $0xffff  }
0x146: {  	v10 =	vld.idx.msk [tilespmem:v57+s6+$0x0], $0xffff  }
0x147: {  	v3 =	vld.idx.msk [tilespmem:v3+s6+$0x0], $0xffff;
	v6 =	vmul.f32 v27, v6;
	v8 =	vmul.f32 v35, v8  }
0x148: {  	v11 =	vmul.f32 v11, v35;
	v4 =	vmul.f32 v4, v27  }
0x149: {  	v6 =	vadd.f32 v8, v6  }
0x14a: {  	v60 =	vmul.f32 v58, v27;
	v61 =	vmul.f32 v59, v35;
	v4 =	vadd.f32 v11, v4  }
0x14b: {  	v62 =	vmul.f32 v10, v35;
	v6 =	vmul.f32 v6, v14  }
0x14c: {  	v8 =	vadd.f32 v61, v60;
	v4 =	vmul.f32 v4, v46;
	v3 =	vmul.f32 v3, v27;
	_ =	sdelay $0x1  }
0x14d: {  	v63 =	vmul.f32 v8, v47;
	v4 =	vadd.f32 v4, v6;
	v3 =	vadd.f32 v62, v3;
	_ =	sdelay $0x1  }
0x14e: {  	s17 =	sor.u32 s4, s17;
	v4 =	vadd.f32 v63, v4;
	v3 =	vmul.f32 v3, v15  }
0x14f: {  	s17 =	sor.u32 s18, s17  }
0x150: {  	s17 =	sor.u32 s19, s17;
	v3 =	vadd.f32 v3, v4  }
0x151: {  	s31 =	rddreg [dreg:$0x2];
	s17 =	sshrl.u32 s17, $0x3  }
0x152: {  	p0 =	por $0x1, $0x1;
	s18 =	simm.s32 $0x0;
	s17 =	sadd.s32 s31, s17;
	[tilespmem:s22+$0x14000] =	vst v3  }
.LBB2_9:
0x153: {  	s19 =	sshll.u32 s18, $0xC  }
0x154: {  	s23 =	sshll.u32 s18, $0x12;
	s19 =	sand.u32 $0x3FFFF000, s19  }
0x155: {  	s18 =	sadd.s32 s23, s17;
	s20 =	sadd.s32 $0x13000, s19  }
0x156: {  	[hbm4b:s18+s13] =	stream.strided.scatter [tilespmem:s20], [sflag:$0x1], $0x100, s11, s13, $0x38;
	[tilespmem:$0x15000] =	vst v63  }
0x157: {  	s24 =	sadd.s32 $0x13100, s19;
	s21 =	sadd.s32 $0x800, s18  }
0x158: {  	[hbm4b:s21+s13] =	stream.strided.scatter [tilespmem:s24], [sflag:$0x1], $0x100, s11, s13, $0x38;
	[tilespmem:$0x15000] =	vst v63  }
0x159: {  	s25 =	sadd.s32 $0x13200, s19;
	s26 =	sadd.s32 $0x1000, s18  }
0x15a: {  	[hbm4b:s26+s13] =	stream.strided.scatter [tilespmem:s25], [sflag:$0x1], $0x100, s11, s13, $0x38;
	[tilespmem:$0x15000] =	vst v63  }
0x15b: {  	s28 =	sadd.s32 $0x13300, s19;
	s29 =	sadd.s32 $0x1800, s18  }
0x15c: {  	[hbm4b:s29+s13] =	stream.strided.scatter [tilespmem:s28], [sflag:$0x1], $0x100, s11, s13, $0x38;
	[tilespmem:$0x15000] =	vst v63  }
0x15d: {  	s30 =	sadd.s32 $0x13400, s19;
	s31 =	sadd.s32 $0x2000, s18  }
0x15e: {  	[hbm4b:s31+s13] =	stream.strided.scatter [tilespmem:s30], [sflag:$0x1], $0x100, s11, s13, $0x38;
	[tilespmem:$0x15000] =	vst v63  }
0x15f: {  	s22 =	sadd.s32 $0x2800, s18;
	s21 =	sadd.s32 $0x13500, s19  }
0x160: {  	[hbm4b:s22+s13] =	stream.strided.scatter [tilespmem:s21], [sflag:$0x1], $0x100, s11, s13, $0x38;
	[tilespmem:$0x15000] =	vst v63  }
0x161: {  	s23 =	sadd.s32 $0x13600, s19;
	s24 =	sadd.s32 $0x3000, s18  }
0x162: {  	[hbm4b:s24+s13] =	stream.strided.scatter [tilespmem:s23], [sflag:$0x1], $0x100, s11, s13, $0x38;
	[tilespmem:$0x15000] =	vst v63  }
0x163: {  	s25 =	sadd.s32 $0x13700, s19;
	s26 =	sadd.s32 $0x3800, s18  }
0x164: {  	[hbm4b:s26+s13] =	stream.strided.scatter [tilespmem:s25], [sflag:$0x1], $0x100, s11, s13, $0x38;
	[tilespmem:$0x15000] =	vst v63  }
0x165: {  	s28 =	sadd.s32 $0x13800, s19;
	s29 =	sadd.s32 $0x4000, s18  }
0x166: {  	[hbm4b:s29+s13] =	stream.strided.scatter [tilespmem:s28], [sflag:$0x1], $0x100, s11, s13, $0x38;
	[tilespmem:$0x15000] =	vst v63  }
0x167: {  	s30 =	sadd.s32 $0x13900, s19;
	s31 =	sadd.s32 $0x4800, s18  }
0x168: {  	[hbm4b:s31+s13] =	stream.strided.scatter [tilespmem:s30], [sflag:$0x1], $0x100, s11, s13, $0x38;
	[tilespmem:$0x15000] =	vst v63  }
0x169: {  	s21 =	sadd.s32 $0x13A00, s19;
	s22 =	sadd.s32 $0x5000, s18  }
0x16a: {  	[hbm4b:s22+s13] =	stream.strided.scatter [tilespmem:s21], [sflag:$0x1], $0x100, s11, s13, $0x38;
	[tilespmem:$0x15000] =	vst v63  }
0x16b: {  	s23 =	sadd.s32 $0x13B00, s19;
	s24 =	sadd.s32 $0x5800, s18  }
0x16c: {  	[hbm4b:s24+s13] =	stream.strided.scatter [tilespmem:s23], [sflag:$0x1], $0x100, s11, s13, $0x38;
	[tilespmem:$0x15000] =	vst v63  }
0x16d: {  	s25 =	sadd.s32 $0x13C00, s19;
	s26 =	sadd.s32 $0x6000, s18  }
0x16e: {  	[hbm4b:s26+s13] =	stream.strided.scatter [tilespmem:s25], [sflag:$0x1], $0x100, s11, s13, $0x38;
	[tilespmem:$0x15000] =	vst v63  }
0x16f: {  	p1 =	por p0, p0;
	s28 =	sadd.s32 $0x13D00, s19;
	s29 =	sadd.s32 $0x6800, s18  }
0x170: {  	[hbm4b:s29+s13] =	stream.strided.scatter [tilespmem:s28], [sflag:$0x1], $0x100, s11, s13, $0x38;
	[tilespmem:$0x15000] =	vst v63  }
.Ltmp3:
0x171: {  	s30 =	sadd.s32 $0x13E00, s19;
	s31 =	sadd.s32 $0x7000, s18;
	(pc) =	sbr.rel @p1 .LBB2_9-.Ltmp3, $4  }
0x172: {  	[hbm4b:s31+s13] =	stream.strided.scatter [tilespmem:s30], [sflag:$0x1], $0x100, s11, s13, $0x38;
	[tilespmem:$0x15000] =	vst v63  }
0x173: {  	s19 =	sadd.s32 $0x13F00, s19;
	s18 =	sadd.s32 $0x7800, s18  }
0x174: {  	[hbm4b:s18+s13] =	stream.strided.scatter [tilespmem:s19], [sflag:$0x1], $0x100, s11, s13, $0x38;
	[tilespmem:$0x15000] =	vst v63  }
0x175: {  	p0 =	por $0x0, $0x0;
	s18 =	simm.s32 $0x1  }
0x176: {  	s16 =	sadd.s32 $0x1, s16  }
0x177: {  	p0 =	sne.s32 s16, $0x20  }
.Ltmp4:
0x178: {  	_ = 	snop;
	(pc) =	sbr.rel @p0 .LBB2_2-.Ltmp4, $4  }
0x179: {  	_ = 	snop  }
0x17a: {  	_ =	swait.ge [sflag:s12], $0x2000  }
0x17b: {  	[sflag:s12] =	ssyncset.done $0x0  }
0x17c: {  	[sflag:s12] =	ssyncadd.s32 $0xFFFFE000  }
0x17d: {  	s17 =	rddreg [dreg:$0x5]  }
0x17e: {  	s16 =	rddreg [dreg:$0x4];
	s17 =	sadd.s32 $0x1, s17  }
0x17f: {  	p0 =	sne.s32 s17, s16  }
.Ltmp5:
0x180: {  	_ = 	snop;
	(pc) =	sbr.rel @p0 .LBB2_1-.Ltmp5, $1  }
0x181: {  	_ =	sdelay $0x3  }
0x182: {  	_ =	sfence.sel $0x180000  }
0x183: {  	[bflag:$0x0] =	sbarrier.arrive $0xFFFF  }
0x184: {  	_ =	strace $0x90000047  }
0x185: {  	s0 =	stileid.u32;
	[bflag:$0x2] =	sbarrier.arrive $0xFFFF  }
0x186: {  	p0 =	sne.s32 s0, $0x0;
	s0 =	rddreg [dreg:$0x3]  }
0x187: {  	s0 =	sadd.s32 @!p0 $0x100000, s0  }
0x188: {  	[sflag:s0] =	ssyncadd.tile.s32 @!p0 $0x1;
	_ =	shalt  }
.Lfunc_end2:
_tile_overlayer_lowered:
.L_overlay_start_2:
0x189: {  	(tag) =	ssettag $0x2  }
0x18a: {  	s0 =	rddreg [dreg:$0x0];
	s2 =	stileid.u32  }
0x18b: {  	s1 =	rddreg [dreg:$0x1];
	p0 =	sne.s32 s2, $0x0  }
0x18c: {  	s3 =	rddreg [dreg:$0x2];
	[bflag:$0x3] =	sbarrier.arrive $0xFFFF;
	s2 =	simm.s32 @!p0 $0x1C01  }
0x18d: {  	[timem:s3], [sflag:s2] =	dma.local @!p0 [hbm:s0], s1  }
0x18e: {  	s0 =	simm.s32 @!p0 $0x1  }
0x18f: {  	_ =	swait.ge @!p0 [sflag:s0], s1  }
0x190: {  	s1 =	ssub.s32 @!p0 $0x0, s1;
	[sflag:s0] =	ssyncset.done @!p0 $0x0  }
0x191: {  	[sflag:s0] =	ssyncadd.s32 @!p0 s1  }
0x192: {  	[bflag:$0x3] =	sbarrier.arrive $0xFFFF  }
0x193: {  	_ =	shalt  }

</sc_bundles>
